<compile_context>
chip_gen: v7x
topology: tpu7x:2x2x1
jax: 0.10.2.dev20260603
libtpu: 0.0.44.dev20260713+nightly
codegen_flags: <defaults>
</compile_context>

<pallas_src>
import functools

import jax
import jax.numpy as jnp
from jax import lax
from jax.experimental import pallas as pl
from jax.experimental.pallas import tpu as pltpu
import jax.experimental.pallas.tpu_sc as plsc

NC = 2
NS = 16
NW = NC * NS
CH = 64
NSLOT = 3


def _hist_kernel(n_pad, n_chunks):
  mesh = plsc.VectorSubcoreMesh(
      core_axis_name="c", subcore_axis_name="s", num_cores=NC, num_subcores=NS)
  rows_per_tile = n_pad // NS

  @functools.partial(
      pl.kernel,
      out_type=(
          jax.ShapeDtypeStruct((n_pad,), jnp.float32),
          jax.ShapeDtypeStruct((n_pad,), jnp.float32),
      ),
      mesh=mesh,
      scratch_types=[
          pltpu.VMEM_SHARED((n_pad,), jnp.float32),
          pltpu.VMEM((n_chunks, CH), jnp.int32),
          pltpu.VMEM((CH,), jnp.float32),
          pltpu.VMEM((rows_per_tile,), jnp.float32),
      ],
  )
  def hist(dst_hbm, degA_hbm, degB_hbm, deg_sp, dst_v, ones_v, zeros_v):
    c = lax.axis_index("c")
    s = lax.axis_index("s")
    g = c * NS + s

    zvec = jnp.zeros((16,), jnp.float32)
    ovec = jnp.ones((16,), jnp.float32)
    for i in range(rows_per_tile // 16):
      zeros_v[pl.ds(i * 16, 16)] = zvec
    for i in range(CH // 16):
      ones_v[pl.ds(i * 16, 16)] = ovec

    base = s * rows_per_tile
    pltpu.sync_copy(zeros_v, deg_sp.at[pl.ds(base, rows_per_tile)])
    pltpu.sync_copy(dst_hbm.at[g], dst_v)
    plsc.subcore_barrier()

    def body(j):
      pltpu.sync_copy(ones_v, deg_sp.at[dst_v.at[j]], add=True)
    pl.loop(0, n_chunks)(body)

    plsc.subcore_barrier()

    @pl.when(c == 0)
    def _():
      pltpu.sync_copy(deg_sp.at[pl.ds(base, rows_per_tile)],
                      degA_hbm.at[pl.ds(base, rows_per_tile)])

    @pl.when(c == 1)
    def _():
      pltpu.sync_copy(deg_sp.at[pl.ds(base, rows_per_tile)],
                      degB_hbm.at[pl.ds(base, rows_per_tile)])

  return hist


def _edge_kernel(n, n_pad, d, n_chunks):
  mesh = plsc.VectorSubcoreMesh(
      core_axis_name="c", subcore_axis_name="s", num_cores=NC, num_subcores=NS)
  rows_per_tile = n_pad // NS
  assert rows_per_tile % CH == 0
  n_zero = rows_per_tile // CH
  assert n_chunks % NSLOT == 0
  et = n_chunks * CH

  @functools.partial(
      pl.kernel,
      out_type=(
          jax.ShapeDtypeStruct((n_pad, d), jnp.float32),
          jax.ShapeDtypeStruct((n_pad, d), jnp.float32),
      ),
      mesh=mesh,
      scratch_types=[
          pltpu.VMEM_SHARED((n_pad, d), jnp.float32),
          pltpu.VMEM((et,), jnp.int32),
          pltpu.VMEM((et,), jnp.int32),
          [pltpu.VMEM((CH, d), jnp.float32) for _ in range(NSLOT)],
          [pltpu.SemaphoreType.DMA for _ in range(NSLOT)],
          [pltpu.SemaphoreType.DMA for _ in range(NSLOT)],
      ],
  )
  def edge(h2_hbm, src_hbm, dst_hbm, pA_hbm, pB_hbm,
           acc_sp, src_v, dst_v, bufs, gsems, ssems):
    c = lax.axis_index("c")
    s = lax.axis_index("s")
    g = c * NS + s

    base = s * rows_per_tile

    @pl.when(c == 0)
    def _():
      pltpu.sync_copy(h2_hbm.at[pl.ds(base, rows_per_tile)],
                      acc_sp.at[pl.ds(base, rows_per_tile)])

    @pl.when(c == 1)
    def _():
      zvec = jnp.zeros((16,), jnp.float32)

      def zero_row(i):
        for jj in range(d // 16):
          bufs[0][i, pl.ds(jj * 16, 16)] = zvec
      pl.loop(0, CH)(zero_row)
      for r in range(n_zero):
        pltpu.sync_copy(bufs[0], acc_sp.at[pl.ds(base + r * CH, CH)])

    pltpu.sync_copy(src_hbm.at[g], src_v)
    pltpu.sync_copy(dst_hbm.at[g], dst_v)
    plsc.subcore_barrier()

    def sidx(j):
      return src_v.at[pl.ds(j * CH, CH)]

    def didx(j):
      return dst_v.at[pl.ds(j * CH, CH)]

    for k in range(NSLOT):
      pltpu.async_copy(h2_hbm.at[sidx(k)], bufs[k], gsems[k])

    def body(i):
      j = i * NSLOT
      descs = []
      for k in range(NSLOT):
        pltpu.make_async_copy(h2_hbm.at[sidx(j + k)], bufs[k], gsems[k]).wait()
        descs.append(pltpu.async_copy(
            bufs[k], acc_sp.at[didx(j + k)], ssems[k], add=True))
      for k in range(NSLOT):
        @pl.when(j + k + NSLOT < n_chunks)
        def _(k=k):
          descs[k].wait()
          pltpu.async_copy(h2_hbm.at[sidx(j + k + NSLOT)], bufs[k], gsems[k])

    pl.loop(0, n_chunks // NSLOT)(body)

    for k in range(NSLOT):
      pltpu.make_async_copy(
          bufs[k], acc_sp.at[didx(n_chunks - NSLOT + k)], ssems[k]).wait()

    plsc.subcore_barrier()

    @pl.when(c == 0)
    def _():
      pltpu.sync_copy(acc_sp.at[pl.ds(base, rows_per_tile)],
                      pA_hbm.at[pl.ds(base, rows_per_tile)])

    @pl.when(c == 1)
    def _():
      pltpu.sync_copy(acc_sp.at[pl.ds(base, rows_per_tile)],
                      pB_hbm.at[pl.ds(base, rows_per_tile)])

  return edge


def _matmul_body(x_ref, w_ref, o_ref):
  o_ref[...] = lax.dot_general(x_ref[...], w_ref[...],
                               (((1,), (1,)), ((), ())),
                               preferred_element_type=jnp.float32)


def _unpack_rowscalars(d_block, bs):
  rows = d_block.shape[0]
  j_iota = lax.broadcasted_iota(jnp.int32, (bs, rows), 1)
  rdiv = lax.broadcasted_iota(jnp.int32, (bs, rows), 0) // 128
  sel = (j_iota == rdiv).astype(jnp.float32)
  g = lax.dot_general(sel, d_block, (((1,), (0,)), ((), ())),
                      precision=lax.Precision.HIGHEST,
                      preferred_element_type=jnp.float32)
  r_iota = lax.broadcasted_iota(jnp.int32, (bs, 128), 0)
  c_iota = lax.broadcasted_iota(jnp.int32, (bs, 128), 1)
  lane = (c_iota == r_iota % 128).astype(jnp.float32)
  return jnp.sum(g * lane, axis=1, keepdims=True)


def _scale_body(h_ref, dinv_ref, o_ref):
  bs = h_ref.shape[0]
  dinv = _unpack_rowscalars(dinv_ref[...], bs)
  o_ref[...] = h_ref[...] * dinv


def _combine_body(pA_ref, pB_ref, dinv_ref, b_ref, o_ref):
  bs = pA_ref.shape[0]
  dinv = _unpack_rowscalars(dinv_ref[...], bs)
  o_ref[...] = (pA_ref[...] + pB_ref[...]) * dinv + b_ref[...]


def kernel(x, edge_index, W, b):
  n, d_in = x.shape
  d_out = W.shape[0]
  e = edge_index.shape[1]

  n_pad = ((n + (NS * CH) - 1) // (NS * CH)) * (NS * CH)
  et = e // NW
  n_chunks = -(-et // CH)
  n_chunks = -(-n_chunks // NSLOT) * NSLOT
  e_pad = n_chunks * CH * NW

  ei = edge_index.reshape(2 * e)
  src = ei[:e]
  dst = ei[e:]
  pad = e_pad - e
  pad_src = jnp.arange(pad, dtype=jnp.int32) % n
  pad_dst = n + (jnp.arange(pad, dtype=jnp.int32) % (n_pad - n))
  srcp = jnp.concatenate([src, pad_src]).reshape(NW, n_chunks * CH)
  dstp = jnp.concatenate([dst, pad_dst]).reshape(NW, n_chunks * CH)

  degA, degB = _hist_kernel(n_pad, n_chunks)(
      dstp.reshape(NW, n_chunks, CH))
  dinv2d = lax.rsqrt(degA + degB + 1.0).reshape(n_pad // 128, 128)

  nb = 10
  bs = n // nb
  h = pl.pallas_call(
      _matmul_body,
      grid=(nb,),
      in_specs=[
          pl.BlockSpec((bs, d_in), lambda i: (i, 0)),
          pl.BlockSpec((d_out, d_in), lambda i: (0, 0)),
      ],
      out_specs=pl.BlockSpec((bs, d_out), lambda i: (i, 0)),
      out_shape=jax.ShapeDtypeStruct((n, d_out), jnp.float32),
  )(x, W)

  bs2 = n_pad // nb
  h2 = pl.pallas_call(
      _scale_body,
      grid=(nb,),
      in_specs=[
          pl.BlockSpec((bs2, d_out), lambda i: (i, 0)),
          pl.BlockSpec((bs2 // 128, 128), lambda i: (i, 0)),
      ],
      out_specs=pl.BlockSpec((bs2, d_out), lambda i: (i, 0)),
      out_shape=jax.ShapeDtypeStruct((n_pad, d_out), jnp.float32),
  )(h, dinv2d)

  pA, pB = _edge_kernel(n, n_pad, d_out, n_chunks)(h2, srcp, dstp)

  out = pl.pallas_call(
      _combine_body,
      grid=(nb,),
      in_specs=[
          pl.BlockSpec((bs2, d_out), lambda i: (i, 0)),
          pl.BlockSpec((bs2, d_out), lambda i: (i, 0)),
          pl.BlockSpec((bs2 // 128, 128), lambda i: (i, 0)),
          pl.BlockSpec((1, d_out), lambda i: (0, 0)),
      ],
      out_specs=pl.BlockSpec((bs2, d_out), lambda i: (i, 0)),
      out_shape=jax.ShapeDtypeStruct((n, d_out), jnp.float32),
  )(pA, pB, dinv2d, b.reshape(1, d_out))

  return out

# --- scband reference (transcript-rebuilt; emitter-appended) ---
"""Pipeline reference for scband-gcnconv-48241072669068 (READ-ONLY COPY).

The authoritative reference and input builder live on the scoring server;
editing this copy changes nothing except your own understanding.
"""

import jax, jax.numpy as jnp
import numpy as np

N = 10000
E = 320000
D_IN = 128
D_OUT = 128


def setup_inputs(seed: int = 0) -> dict:
    key = jax.random.key(seed)
    k1, k2, k3 = jax.random.split(key, 3)
    x = jax.random.normal(k1, (N, D_IN), dtype=jnp.float32)
    edge_index = jax.random.randint(k2, (2, E), 0, N, dtype=jnp.int32)
    # PyG GCNConv linear weight [out, in] (glorot) and bias [out]
    W = jax.random.normal(k3, (D_OUT, D_IN), dtype=jnp.float32) * (1.0 / np.sqrt(D_IN))
    b = jnp.zeros((D_OUT,), dtype=jnp.float32)
    return {"x": x, "edge_index": edge_index, "W": W, "b": b}


def reference(x, edge_index, W, b):
    # Faithful GCNConv: h = x W^T; add self loops; sym-normalize; scatter-add; + bias
    n_nodes = x.shape[0]
    h = x @ W.T
    loop = jnp.arange(n_nodes, dtype=edge_index.dtype)
    src = jnp.concatenate([edge_index[0], loop])
    dst = jnp.concatenate([edge_index[1], loop])
    ew = jnp.ones(src.shape[0], dtype=h.dtype)
    deg = jax.ops.segment_sum(ew, dst, num_segments=n_nodes)
    deg_safe = jnp.where(deg > 0, deg, 1.0)
    deg_inv_sqrt = jnp.where(deg > 0, 1.0 / jnp.sqrt(deg_safe), 0.0)
    norm = deg_inv_sqrt[src] * deg_inv_sqrt[dst]
    msg = h[src] * norm[:, None]
    out = jax.ops.segment_sum(msg, dst, num_segments=n_nodes) + b
    return out

if __name__ == "__main__":
    import jax
    _d = setup_inputs()
    print(jax.jit(kernel)(*tuple(_d.values())))

</pallas_src>

<mosaic_0001>
#map = affine_map<(d0, d1) -> (0, 0, 0)>
#map1 = affine_map<(d0, d1) -> (0)>
module attributes {stable_mosaic.version = 14 : i64} {
  func.func @hist(%arg0: i32, %arg1: i32, %arg2: memref<32x159x64xi32, #tpu.memory_space<hbm>>, %arg3: memref<10240xf32, #tpu.memory_space<hbm>>, %arg4: memref<10240xf32, #tpu.memory_space<hbm>>, %arg5: memref<10240xf32, #tpu.memory_space<vmem_shared>>, %arg6: memref<159x64xi32, #tpu.memory_space<vmem>>, %arg7: memref<64xf32, #tpu.memory_space<vmem>>, %arg8: memref<640xf32, #tpu.memory_space<vmem>>) attributes {dimension_semantics = [#tpu.dimension_semantics<core_parallel>, #tpu.dimension_semantics<subcore_parallel>], iteration_bounds = array<i64: 2, 16>, scalar_prefetch = 0 : i64, scratch_operands = 4 : i64, tpu.core_type = #tpu.core_type<sc_vector_subcore>, window_params = [{transform_indices = #map}, {transform_indices = #map1}, {transform_indices = #map1}]} {
    %mul3A = arith.constant 16 : i32
    %mul3A_0 = arith.muli %arg0, %mul3A : i32
    %add3A = arith.addi %mul3A_0, %arg1 : i32
    %broadcast_in_dim3A = arith.constant 0.000000e+00 : f32
    %broadcast_in_dim3A_1 = vector.broadcast %broadcast_in_dim3A : f32 to vector<16xf32>
    %broadcast_in_dim3A_2 = arith.constant 1.000000e+00 : f32
    %broadcast_in_dim3A_3 = vector.broadcast %broadcast_in_dim3A_2 : f32 to vector<16xf32>
    %swap3A = arith.constant 0 : index
    %swap3A_4 = tpu.vector_load %arg8[%swap3A] {strides = array<i32>} : memref<640xf32, #tpu.memory_space<vmem>>, vector<16xf32>,
    %swap3A_5 = vector.shape_cast %swap3A_4 : vector<16xf32> to vector<16xf32>
    %swap3A_6 = vector.shape_cast %broadcast_in_dim3A_1 : vector<16xf32> to vector<16xf32>
    tpu.vector_store %arg8[%swap3A], %swap3A_6 {strides = array<i32>} : memref<640xf32, #tpu.memory_space<vmem>>, vector<16xf32>,
    %swap3A_7 = arith.constant 16 : index
    %swap3A_8 = tpu.vector_load %arg8[%swap3A_7] {strides = array<i32>} : memref<640xf32, #tpu.memory_space<vmem>>, vector<16xf32>,
    %swap3A_9 = vector.shape_cast %swap3A_8 : vector<16xf32> to vector<16xf32>
    %swap3A_10 = vector.shape_cast %broadcast_in_dim3A_1 : vector<16xf32> to vector<16xf32>
    tpu.vector_store %arg8[%swap3A_7], %swap3A_10 {strides = array<i32>} : memref<640xf32, #tpu.memory_space<vmem>>, vector<16xf32>,
    %swap3A_11 = arith.constant 32 : index
    %swap3A_12 = tpu.vector_load %arg8[%swap3A_11] {strides = array<i32>} : memref<640xf32, #tpu.memory_space<vmem>>, vector<16xf32>,
    %swap3A_13 = vector.shape_cast %swap3A_12 : vector<16xf32> to vector<16xf32>
    %swap3A_14 = vector.shape_cast %broadcast_in_dim3A_1 : vector<16xf32> to vector<16xf32>
    tpu.vector_store %arg8[%swap3A_11], %swap3A_14 {strides = array<i32>} : memref<640xf32, #tpu.memory_space<vmem>>, vector<16xf32>,
    %swap3A_15 = arith.constant 48 : index
    %swap3A_16 = tpu.vector_load %arg8[%swap3A_15] {strides = array<i32>} : memref<640xf32, #tpu.memory_space<vmem>>, vector<16xf32>,
    %swap3A_17 = vector.shape_cast %swap3A_16 : vector<16xf32> to vector<16xf32>
    %swap3A_18 = vector.shape_cast %broadcast_in_dim3A_1 : vector<16xf32> to vector<16xf32>
    tpu.vector_store %arg8[%swap3A_15], %swap3A_18 {strides = array<i32>} : memref<640xf32, #tpu.memory_space<vmem>>, vector<16xf32>,
    %swap3A_19 = arith.constant 64 : index
    %swap3A_20 = tpu.vector_load %arg8[%swap3A_19] {strides = array<i32>} : memref<640xf32, #tpu.memory_space<vmem>>, vector<16xf32>,
    %swap3A_21 = vector.shape_cast %swap3A_20 : vector<16xf32> to vector<16xf32>
    %swap3A_22 = vector.shape_cast %broadcast_in_dim3A_1 : vector<16xf32> to vector<16xf32>
    tpu.vector_store %arg8[%swap3A_19], %swap3A_22 {strides = array<i32>} : memref<640xf32, #tpu.memory_space<vmem>>, vector<16xf32>,
    %swap3A_23 = arith.constant 80 : index
    %swap3A_24 = tpu.vector_load %arg8[%swap3A_23] {strides = array<i32>} : memref<640xf32, #tpu.memory_space<vmem>>, vector<16xf32>,
    %swap3A_25 = vector.shape_cast %swap3A_24 : vector<16xf32> to vector<16xf32>
    %swap3A_26 = vector.shape_cast %broadcast_in_dim3A_1 : vector<16xf32> to vector<16xf32>
    tpu.vector_store %arg8[%swap3A_23], %swap3A_26 {strides = array<i32>} : memref<640xf32, #tpu.memory_space<vmem>>, vector<16xf32>,
    %swap3A_27 = arith.constant 96 : index
    %swap3A_28 = tpu.vector_load %arg8[%swap3A_27] {strides = array<i32>} : memref<640xf32, #tpu.memory_space<vmem>>, vector<16xf32>,
    %swap3A_29 = vector.shape_cast %swap3A_28 : vector<16xf32> to vector<16xf32>
    %swap3A_30 = vector.shape_cast %broadcast_in_dim3A_1 : vector<16xf32> to vector<16xf32>
    tpu.vector_store %arg8[%swap3A_27], %swap3A_30 {strides = array<i32>} : memref<640xf32, #tpu.memory_space<vmem>>, vector<16xf32>,
    %swap3A_31 = arith.constant 112 : index
    %swap3A_32 = tpu.vector_load %arg8[%swap3A_31] {strides = array<i32>} : memref<640xf32, #tpu.memory_space<vmem>>, vector<16xf32>,
    %swap3A_33 = vector.shape_cast %swap3A_32 : vector<16xf32> to vector<16xf32>
    %swap3A_34 = vector.shape_cast %broadcast_in_dim3A_1 : vector<16xf32> to vector<16xf32>
    tpu.vector_store %arg8[%swap3A_31], %swap3A_34 {strides = array<i32>} : memref<640xf32, #tpu.memory_space<vmem>>, vector<16xf32>,
    %swap3A_35 = arith.constant 128 : index
    %swap3A_36 = tpu.vector_load %arg8[%swap3A_35] {strides = array<i32>} : memref<640xf32, #tpu.memory_space<vmem>>, vector<16xf32>,
    %swap3A_37 = vector.shape_cast %swap3A_36 : vector<16xf32> to vector<16xf32>
    %swap3A_38 = vector.shape_cast %broadcast_in_dim3A_1 : vector<16xf32> to vector<16xf32>
    tpu.vector_store %arg8[%swap3A_35], %swap3A_38 {strides = array<i32>} : memref<640xf32, #tpu.memory_space<vmem>>, vector<16xf32>,
    %swap3A_39 = arith.constant 144 : index
    %swap3A_40 = tpu.vector_load %arg8[%swap3A_39] {strides = array<i32>} : memref<640xf32, #tpu.memory_space<vmem>>, vector<16xf32>,
    %swap3A_41 = vector.shape_cast %swap3A_40 : vector<16xf32> to vector<16xf32>
    %swap3A_42 = vector.shape_cast %broadcast_in_dim3A_1 : vector<16xf32> to vector<16xf32>
    tpu.vector_store %arg8[%swap3A_39], %swap3A_42 {strides = array<i32>} : memref<640xf32, #tpu.memory_space<vmem>>, vector<16xf32>,
    %swap3A_43 = arith.constant 160 : index
    %swap3A_44 = tpu.vector_load %arg8[%swap3A_43] {strides = array<i32>} : memref<640xf32, #tpu.memory_space<vmem>>, vector<16xf32>,
    %swap3A_45 = vector.shape_cast %swap3A_44 : vector<16xf32> to vector<16xf32>
    %swap3A_46 = vector.shape_cast %broadcast_in_dim3A_1 : vector<16xf32> to vector<16xf32>
    tpu.vector_store %arg8[%swap3A_43], %swap3A_46 {strides = array<i32>} : memref<640xf32, #tpu.memory_space<vmem>>, vector<16xf32>,
    %swap3A_47 = arith.constant 176 : index
    %swap3A_48 = tpu.vector_load %arg8[%swap3A_47] {strides = array<i32>} : memref<640xf32, #tpu.memory_space<vmem>>, vector<16xf32>,
    %swap3A_49 = vector.shape_cast %swap3A_48 : vector<16xf32> to vector<16xf32>
    %swap3A_50 = vector.shape_cast %broadcast_in_dim3A_1 : vector<16xf32> to vector<16xf32>
    tpu.vector_store %arg8[%swap3A_47], %swap3A_50 {strides = array<i32>} : memref<640xf32, #tpu.memory_space<vmem>>, vector<16xf32>,
    %swap3A_51 = arith.constant 192 : index
    %swap3A_52 = tpu.vector_load %arg8[%swap3A_51] {strides = array<i32>} : memref<640xf32, #tpu.memory_space<vmem>>, vector<16xf32>,
    %swap3A_53 = vector.shape_cast %swap3A_52 : vector<16xf32> to vector<16xf32>
    %swap3A_54 = vector.shape_cast %broadcast_in_dim3A_1 : vector<16xf32> to vector<16xf32>
    tpu.vector_store %arg8[%swap3A_51], %swap3A_54 {strides = array<i32>} : memref<640xf32, #tpu.memory_space<vmem>>, vector<16xf32>,
    %swap3A_55 = arith.constant 208 : index
    %swap3A_56 = tpu.vector_load %arg8[%swap3A_55] {strides = array<i32>} : memref<640xf32, #tpu.memory_space<vmem>>, vector<16xf32>,
    %swap3A_57 = vector.shape_cast %swap3A_56 : vector<16xf32> to vector<16xf32>
    %swap3A_58 = vector.shape_cast %broadcast_in_dim3A_1 : vector<16xf32> to vector<16xf32>
    tpu.vector_store %arg8[%swap3A_55], %swap3A_58 {strides = array<i32>} : memref<640xf32, #tpu.memory_space<vmem>>, vector<16xf32>,
    %swap3A_59 = arith.constant 224 : index
    %swap3A_60 = tpu.vector_load %arg8[%swap3A_59] {strides = array<i32>} : memref<640xf32, #tpu.memory_space<vmem>>, vector<16xf32>,
    %swap3A_61 = vector.shape_cast %swap3A_60 : vector<16xf32> to vector<16xf32>
    %swap3A_62 = vector.shape_cast %broadcast_in_dim3A_1 : vector<16xf32> to vector<16xf32>
    tpu.vector_store %arg8[%swap3A_59], %swap3A_62 {strides = array<i32>} : memref<640xf32, #tpu.memory_space<vmem>>, vector<16xf32>,
    %swap3A_63 = arith.constant 240 : index
    %swap3A_64 = tpu.vector_load %arg8[%swap3A_63] {strides = array<i32>} : memref<640xf32, #tpu.memory_space<vmem>>, vector<16xf32>,
    %swap3A_65 = vector.shape_cast %swap3A_64 : vector<16xf32> to vector<16xf32>
    %swap3A_66 = vector.shape_cast %broadcast_in_dim3A_1 : vector<16xf32> to vector<16xf32>
    tpu.vector_store %arg8[%swap3A_63], %swap3A_66 {strides = array<i32>} : memref<640xf32, #tpu.memory_space<vmem>>, vector<16xf32>,
    %swap3A_67 = arith.constant 256 : index
    %swap3A_68 = tpu.vector_load %arg8[%swap3A_67] {strides = array<i32>} : memref<640xf32, #tpu.memory_space<vmem>>, vector<16xf32>,
    %swap3A_69 = vector.shape_cast %swap3A_68 : vector<16xf32> to vector<16xf32>
    %swap3A_70 = vector.shape_cast %broadcast_in_dim3A_1 : vector<16xf32> to vector<16xf32>
    tpu.vector_store %arg8[%swap3A_67], %swap3A_70 {strides = array<i32>} : memref<640xf32, #tpu.memory_space<vmem>>, vector<16xf32>,
    %swap3A_71 = arith.constant 272 : index
    %swap3A_72 = tpu.vector_load %arg8[%swap3A_71] {strides = array<i32>} : memref<640xf32, #tpu.memory_space<vmem>>, vector<16xf32>,
    %swap3A_73 = vector.shape_cast %swap3A_72 : vector<16xf32> to vector<16xf32>
    %swap3A_74 = vector.shape_cast %broadcast_in_dim3A_1 : vector<16xf32> to vector<16xf32>
    tpu.vector_store %arg8[%swap3A_71], %swap3A_74 {strides = array<i32>} : memref<640xf32, #tpu.memory_space<vmem>>, vector<16xf32>,
    %swap3A_75 = arith.constant 288 : index
    %swap3A_76 = tpu.vector_load %arg8[%swap3A_75] {strides = array<i32>} : memref<640xf32, #tpu.memory_space<vmem>>, vector<16xf32>,
    %swap3A_77 = vector.shape_cast %swap3A_76 : vector<16xf32> to vector<16xf32>
    %swap3A_78 = vector.shape_cast %broadcast_in_dim3A_1 : vector<16xf32> to vector<16xf32>
    tpu.vector_store %arg8[%swap3A_75], %swap3A_78 {strides = array<i32>} : memref<640xf32, #tpu.memory_space<vmem>>, vector<16xf32>,
    %swap3A_79 = arith.constant 304 : index
    %swap3A_80 = tpu.vector_load %arg8[%swap3A_79] {strides = array<i32>} : memref<640xf32, #tpu.memory_space<vmem>>, vector<16xf32>,
    %swap3A_81 = vector.shape_cast %swap3A_80 : vector<16xf32> to vector<16xf32>
    %swap3A_82 = vector.shape_cast %broadcast_in_dim3A_1 : vector<16xf32> to vector<16xf32>
    tpu.vector_store %arg8[%swap3A_79], %swap3A_82 {strides = array<i32>} : memref<640xf32, #tpu.memory_space<vmem>>, vector<16xf32>,
    %swap3A_83 = arith.constant 320 : index
    %swap3A_84 = tpu.vector_load %arg8[%swap3A_83] {strides = array<i32>} : memref<640xf32, #tpu.memory_space<vmem>>, vector<16xf32>,
    %swap3A_85 = vector.shape_cast %swap3A_84 : vector<16xf32> to vector<16xf32>
    %swap3A_86 = vector.shape_cast %broadcast_in_dim3A_1 : vector<16xf32> to vector<16xf32>
    tpu.vector_store %arg8[%swap3A_83], %swap3A_86 {strides = array<i32>} : memref<640xf32, #tpu.memory_space<vmem>>, vector<16xf32>,
    %swap3A_87 = arith.constant 336 : index
    %swap3A_88 = tpu.vector_load %arg8[%swap3A_87] {strides = array<i32>} : memref<640xf32, #tpu.memory_space<vmem>>, vector<16xf32>,
    %swap3A_89 = vector.shape_cast %swap3A_88 : vector<16xf32> to vector<16xf32>
    %swap3A_90 = vector.shape_cast %broadcast_in_dim3A_1 : vector<16xf32> to vector<16xf32>
    tpu.vector_store %arg8[%swap3A_87], %swap3A_90 {strides = array<i32>} : memref<640xf32, #tpu.memory_space<vmem>>, vector<16xf32>,
    %swap3A_91 = arith.constant 352 : index
    %swap3A_92 = tpu.vector_load %arg8[%swap3A_91] {strides = array<i32>} : memref<640xf32, #tpu.memory_space<vmem>>, vector<16xf32>,
    %swap3A_93 = vector.shape_cast %swap3A_92 : vector<16xf32> to vector<16xf32>
    %swap3A_94 = vector.shape_cast %broadcast_in_dim3A_1 : vector<16xf32> to vector<16xf32>
    tpu.vector_store %arg8[%swap3A_91], %swap3A_94 {strides = array<i32>} : memref<640xf32, #tpu.memory_space<vmem>>, vector<16xf32>,
    %swap3A_95 = arith.constant 368 : index
    %swap3A_96 = tpu.vector_load %arg8[%swap3A_95] {strides = array<i32>} : memref<640xf32, #tpu.memory_space<vmem>>, vector<16xf32>,
    %swap3A_97 = vector.shape_cast %swap3A_96 : vector<16xf32> to vector<16xf32>
    %swap3A_98 = vector.shape_cast %broadcast_in_dim3A_1 : vector<16xf32> to vector<16xf32>
    tpu.vector_store %arg8[%swap3A_95], %swap3A_98 {strides = array<i32>} : memref<640xf32, #tpu.memory_space<vmem>>, vector<16xf32>,
    %swap3A_99 = arith.constant 384 : index
    %swap3A_100 = tpu.vector_load %arg8[%swap3A_99] {strides = array<i32>} : memref<640xf32, #tpu.memory_space<vmem>>, vector<16xf32>,
    %swap3A_101 = vector.shape_cast %swap3A_100 : vector<16xf32> to vector<16xf32>
    %swap3A_102 = vector.shape_cast %broadcast_in_dim3A_1 : vector<16xf32> to vector<16xf32>
    tpu.vector_store %arg8[%swap3A_99], %swap3A_102 {strides = array<i32>} : memref<640xf32, #tpu.memory_space<vmem>>, vector<16xf32>,
    %swap3A_103 = arith.constant 400 : index
    %swap3A_104 = tpu.vector_load %arg8[%swap3A_103] {strides = array<i32>} : memref<640xf32, #tpu.memory_space<vmem>>, vector<16xf32>,
    %swap3A_105 = vector.shape_cast %swap3A_104 : vector<16xf32> to vector<16xf32>
    %swap3A_106 = vector.shape_cast %broadcast_in_dim3A_1 : vector<16xf32> to vector<16xf32>
    tpu.vector_store %arg8[%swap3A_103], %swap3A_106 {strides = array<i32>} : memref<640xf32, #tpu.memory_space<vmem>>, vector<16xf32>,
    %swap3A_107 = arith.constant 416 : index
    %swap3A_108 = tpu.vector_load %arg8[%swap3A_107] {strides = array<i32>} : memref<640xf32, #tpu.memory_space<vmem>>, vector<16xf32>,
    %swap3A_109 = vector.shape_cast %swap3A_108 : vector<16xf32> to vector<16xf32>
    %swap3A_110 = vector.shape_cast %broadcast_in_dim3A_1 : vector<16xf32> to vector<16xf32>
    tpu.vector_store %arg8[%swap3A_107], %swap3A_110 {strides = array<i32>} : memref<640xf32, #tpu.memory_space<vmem>>, vector<16xf32>,
    %swap3A_111 = arith.constant 432 : index
    %swap3A_112 = tpu.vector_load %arg8[%swap3A_111] {strides = array<i32>} : memref<640xf32, #tpu.memory_space<vmem>>, vector<16xf32>,
    %swap3A_113 = vector.shape_cast %swap3A_112 : vector<16xf32> to vector<16xf32>
    %swap3A_114 = vector.shape_cast %broadcast_in_dim3A_1 : vector<16xf32> to vector<16xf32>
    tpu.vector_store %arg8[%swap3A_111], %swap3A_114 {strides = array<i32>} : memref<640xf32, #tpu.memory_space<vmem>>, vector<16xf32>,
    %swap3A_115 = arith.constant 448 : index
    %swap3A_116 = tpu.vector_load %arg8[%swap3A_115] {strides = array<i32>} : memref<640xf32, #tpu.memory_space<vmem>>, vector<16xf32>,
    %swap3A_117 = vector.shape_cast %swap3A_116 : vector<16xf32> to vector<16xf32>
    %swap3A_118 = vector.shape_cast %broadcast_in_dim3A_1 : vector<16xf32> to vector<16xf32>
    tpu.vector_store %arg8[%swap3A_115], %swap3A_118 {strides = array<i32>} : memref<640xf32, #tpu.memory_space<vmem>>, vector<16xf32>,
    %swap3A_119 = arith.constant 464 : index
    %swap3A_120 = tpu.vector_load %arg8[%swap3A_119] {strides = array<i32>} : memref<640xf32, #tpu.memory_space<vmem>>, vector<16xf32>,
    %swap3A_121 = vector.shape_cast %swap3A_120 : vector<16xf32> to vector<16xf32>
    %swap3A_122 = vector.shape_cast %broadcast_in_dim3A_1 : vector<16xf32> to vector<16xf32>
    tpu.vector_store %arg8[%swap3A_119], %swap3A_122 {strides = array<i32>} : memref<640xf32, #tpu.memory_space<vmem>>, vector<16xf32>,
    %swap3A_123 = arith.constant 480 : index
    %swap3A_124 = tpu.vector_load %arg8[%swap3A_123] {strides = array<i32>} : memref<640xf32, #tpu.memory_space<vmem>>, vector<16xf32>,
    %swap3A_125 = vector.shape_cast %swap3A_124 : vector<16xf32> to vector<16xf32>
    %swap3A_126 = vector.shape_cast %broadcast_in_dim3A_1 : vector<16xf32> to vector<16xf32>
    tpu.vector_store %arg8[%swap3A_123], %swap3A_126 {strides = array<i32>} : memref<640xf32, #tpu.memory_space<vmem>>, vector<16xf32>,
    %swap3A_127 = arith.constant 496 : index
    %swap3A_128 = tpu.vector_load %arg8[%swap3A_127] {strides = array<i32>} : memref<640xf32, #tpu.memory_space<vmem>>, vector<16xf32>,
    %swap3A_129 = vector.shape_cast %swap3A_128 : vector<16xf32> to vector<16xf32>
    %swap3A_130 = vector.shape_cast %broadcast_in_dim3A_1 : vector<16xf32> to vector<16xf32>
    tpu.vector_store %arg8[%swap3A_127], %swap3A_130 {strides = array<i32>} : memref<640xf32, #tpu.memory_space<vmem>>, vector<16xf32>,
    %swap3A_131 = arith.constant 512 : index
    %swap3A_132 = tpu.vector_load %arg8[%swap3A_131] {strides = array<i32>} : memref<640xf32, #tpu.memory_space<vmem>>, vector<16xf32>,
    %swap3A_133 = vector.shape_cast %swap3A_132 : vector<16xf32> to vector<16xf32>
    %swap3A_134 = vector.shape_cast %broadcast_in_dim3A_1 : vector<16xf32> to vector<16xf32>
    tpu.vector_store %arg8[%swap3A_131], %swap3A_134 {strides = array<i32>} : memref<640xf32, #tpu.memory_space<vmem>>, vector<16xf32>,
    %swap3A_135 = arith.constant 528 : index
    %swap3A_136 = tpu.vector_load %arg8[%swap3A_135] {strides = array<i32>} : memref<640xf32, #tpu.memory_space<vmem>>, vector<16xf32>,
    %swap3A_137 = vector.shape_cast %swap3A_136 : vector<16xf32> to vector<16xf32>
    %swap3A_138 = vector.shape_cast %broadcast_in_dim3A_1 : vector<16xf32> to vector<16xf32>
    tpu.vector_store %arg8[%swap3A_135], %swap3A_138 {strides = array<i32>} : memref<640xf32, #tpu.memory_space<vmem>>, vector<16xf32>,
    %swap3A_139 = arith.constant 544 : index
    %swap3A_140 = tpu.vector_load %arg8[%swap3A_139] {strides = array<i32>} : memref<640xf32, #tpu.memory_space<vmem>>, vector<16xf32>,
    %swap3A_141 = vector.shape_cast %swap3A_140 : vector<16xf32> to vector<16xf32>
    %swap3A_142 = vector.shape_cast %broadcast_in_dim3A_1 : vector<16xf32> to vector<16xf32>
    tpu.vector_store %arg8[%swap3A_139], %swap3A_142 {strides = array<i32>} : memref<640xf32, #tpu.memory_space<vmem>>, vector<16xf32>,
    %swap3A_143 = arith.constant 560 : index
    %swap3A_144 = tpu.vector_load %arg8[%swap3A_143] {strides = array<i32>} : memref<640xf32, #tpu.memory_space<vmem>>, vector<16xf32>,
    %swap3A_145 = vector.shape_cast %swap3A_144 : vector<16xf32> to vector<16xf32>
    %swap3A_146 = vector.shape_cast %broadcast_in_dim3A_1 : vector<16xf32> to vector<16xf32>
    tpu.vector_store %arg8[%swap3A_143], %swap3A_146 {strides = array<i32>} : memref<640xf32, #tpu.memory_space<vmem>>, vector<16xf32>,
    %swap3A_147 = arith.constant 576 : index
    %swap3A_148 = tpu.vector_load %arg8[%swap3A_147] {strides = array<i32>} : memref<640xf32, #tpu.memory_space<vmem>>, vector<16xf32>,
    %swap3A_149 = vector.shape_cast %swap3A_148 : vector<16xf32> to vector<16xf32>
    %swap3A_150 = vector.shape_cast %broadcast_in_dim3A_1 : vector<16xf32> to vector<16xf32>
    tpu.vector_store %arg8[%swap3A_147], %swap3A_150 {strides = array<i32>} : memref<640xf32, #tpu.memory_space<vmem>>, vector<16xf32>,
    %swap3A_151 = arith.constant 592 : index
    %swap3A_152 = tpu.vector_load %arg8[%swap3A_151] {strides = array<i32>} : memref<640xf32, #tpu.memory_space<vmem>>, vector<16xf32>,
    %swap3A_153 = vector.shape_cast %swap3A_152 : vector<16xf32> to vector<16xf32>
    %swap3A_154 = vector.shape_cast %broadcast_in_dim3A_1 : vector<16xf32> to vector<16xf32>
    tpu.vector_store %arg8[%swap3A_151], %swap3A_154 {strides = array<i32>} : memref<640xf32, #tpu.memory_space<vmem>>, vector<16xf32>,
    %swap3A_155 = arith.constant 608 : index
    %swap3A_156 = tpu.vector_load %arg8[%swap3A_155] {strides = array<i32>} : memref<640xf32, #tpu.memory_space<vmem>>, vector<16xf32>,
    %swap3A_157 = vector.shape_cast %swap3A_156 : vector<16xf32> to vector<16xf32>
    %swap3A_158 = vector.shape_cast %broadcast_in_dim3A_1 : vector<16xf32> to vector<16xf32>
    tpu.vector_store %arg8[%swap3A_155], %swap3A_158 {strides = array<i32>} : memref<640xf32, #tpu.memory_space<vmem>>, vector<16xf32>,
    %swap3A_159 = arith.constant 624 : index
    %swap3A_160 = tpu.vector_load %arg8[%swap3A_159] {strides = array<i32>} : memref<640xf32, #tpu.memory_space<vmem>>, vector<16xf32>,
    %swap3A_161 = vector.shape_cast %swap3A_160 : vector<16xf32> to vector<16xf32>
    %swap3A_162 = vector.shape_cast %broadcast_in_dim3A_1 : vector<16xf32> to vector<16xf32>
    tpu.vector_store %arg8[%swap3A_159], %swap3A_162 {strides = array<i32>} : memref<640xf32, #tpu.memory_space<vmem>>, vector<16xf32>,
    %swap3A_163 = arith.constant 0 : index
    %swap3A_164 = tpu.vector_load %arg7[%swap3A_163] {strides = array<i32>} : memref<64xf32, #tpu.memory_space<vmem>>, vector<16xf32>,
    %swap3A_165 = vector.shape_cast %swap3A_164 : vector<16xf32> to vector<16xf32>
    %swap3A_166 = vector.shape_cast %broadcast_in_dim3A_3 : vector<16xf32> to vector<16xf32>
    tpu.vector_store %arg7[%swap3A_163], %swap3A_166 {strides = array<i32>} : memref<64xf32, #tpu.memory_space<vmem>>, vector<16xf32>,
    %swap3A_167 = arith.constant 16 : index
    %swap3A_168 = tpu.vector_load %arg7[%swap3A_167] {strides = array<i32>} : memref<64xf32, #tpu.memory_space<vmem>>, vector<16xf32>,
    %swap3A_169 = vector.shape_cast %swap3A_168 : vector<16xf32> to vector<16xf32>
    %swap3A_170 = vector.shape_cast %broadcast_in_dim3A_3 : vector<16xf32> to vector<16xf32>
    tpu.vector_store %arg7[%swap3A_167], %swap3A_170 {strides = array<i32>} : memref<64xf32, #tpu.memory_space<vmem>>, vector<16xf32>,
    %swap3A_171 = arith.constant 32 : index
    %swap3A_172 = tpu.vector_load %arg7[%swap3A_171] {strides = array<i32>} : memref<64xf32, #tpu.memory_space<vmem>>, vector<16xf32>,
    %swap3A_173 = vector.shape_cast %swap3A_172 : vector<16xf32> to vector<16xf32>
    %swap3A_174 = vector.shape_cast %broadcast_in_dim3A_3 : vector<16xf32> to vector<16xf32>
    tpu.vector_store %arg7[%swap3A_171], %swap3A_174 {strides = array<i32>} : memref<64xf32, #tpu.memory_space<vmem>>, vector<16xf32>,
    %swap3A_175 = arith.constant 48 : index
    %swap3A_176 = tpu.vector_load %arg7[%swap3A_175] {strides = array<i32>} : memref<64xf32, #tpu.memory_space<vmem>>, vector<16xf32>,
    %swap3A_177 = vector.shape_cast %swap3A_176 : vector<16xf32> to vector<16xf32>
    %swap3A_178 = vector.shape_cast %broadcast_in_dim3A_3 : vector<16xf32> to vector<16xf32>
    tpu.vector_store %arg7[%swap3A_175], %swap3A_178 {strides = array<i32>} : memref<64xf32, #tpu.memory_space<vmem>>, vector<16xf32>,
    %mul3A_179 = arith.constant 640 : i32
    %mul3A_180 = arith.muli %arg1, %mul3A_179 : i32
    "tpu.region"() ({
      %run_scoped3A = tpu.sem_alloc : memref<!tpu.dma_semaphore, #tpu.memory_space<semaphore_mem>>
      %dma_start3A = tpu.memref_slice %arg5[%mul3A_180] : memref<10240xf32, #tpu.memory_space<vmem_shared>> -> memref<640xf32, #tpu.memory_space<vmem_shared>>
      %dma_start3A_193 = tpu.memref_slice %arg5[%mul3A_180] : memref<10240xf32, #tpu.memory_space<vmem_shared>> -> memref<640xf32, #tpu.memory_space<vmem_shared>>
      tpu.enqueue_dma source(%arg8 : memref<640xf32, #tpu.memory_space<vmem>>) target(%dma_start3A_193 : memref<640xf32, #tpu.memory_space<vmem_shared>>) target_semaphore(%run_scoped3A : memref<!tpu.dma_semaphore, #tpu.memory_space<semaphore_mem>>)
      %dma_wait3A = tpu.memref_slice %arg5[%mul3A_180] : memref<10240xf32, #tpu.memory_space<vmem_shared>> -> memref<640xf32, #tpu.memory_space<vmem_shared>>
      %dma_wait3A_194 = tpu.memref_slice %arg5[%mul3A_180] : memref<10240xf32, #tpu.memory_space<vmem_shared>> -> memref<640xf32, #tpu.memory_space<vmem_shared>>
      tpu.wait_dma2 semaphore(%run_scoped3A : memref<!tpu.dma_semaphore, #tpu.memory_space<semaphore_mem>>) src(%arg8 : memref<640xf32, #tpu.memory_space<vmem>>) dst(%dma_wait3A_194 : memref<640xf32, #tpu.memory_space<vmem_shared>>)
      tpu.yield
    }) : () -> ()
    "tpu.region"() ({
      %run_scoped3A = tpu.sem_alloc : memref<!tpu.dma_semaphore, #tpu.memory_space<semaphore_mem>>
      %dma_start3A = arith.constant 0 : i32
      %dma_start3A_193 = arith.constant 0 : i32
      %dma_start3A_194 = tpu.memref_slice %arg2[%add3A, %dma_start3A, %dma_start3A_193] : memref<32x159x64xi32, #tpu.memory_space<hbm>> -> memref<1x159x64xi32, #tpu.memory_space<hbm>>
      %dma_start3A_195 = tpu.memref_squeeze %dma_start3A_194 : memref<1x159x64xi32, #tpu.memory_space<hbm>> -> memref<159x64xi32, #tpu.memory_space<hbm>>
      %dma_start3A_196 = arith.constant 0 : i32
      %dma_start3A_197 = arith.constant 0 : i32
      %dma_start3A_198 = tpu.memref_slice %arg2[%add3A, %dma_start3A_196, %dma_start3A_197] : memref<32x159x64xi32, #tpu.memory_space<hbm>> -> memref<1x159x64xi32, #tpu.memory_space<hbm>>
      %dma_start3A_199 = tpu.memref_squeeze %dma_start3A_198 : memref<1x159x64xi32, #tpu.memory_space<hbm>> -> memref<159x64xi32, #tpu.memory_space<hbm>>
      tpu.enqueue_dma source(%dma_start3A_199 : memref<159x64xi32, #tpu.memory_space<hbm>>) target(%arg6 : memref<159x64xi32, #tpu.memory_space<vmem>>) target_semaphore(%run_scoped3A : memref<!tpu.dma_semaphore, #tpu.memory_space<semaphore_mem>>)
      %dma_wait3A = arith.constant 0 : i32
      %dma_wait3A_200 = arith.constant 0 : i32
      %dma_wait3A_201 = tpu.memref_slice %arg2[%add3A, %dma_wait3A, %dma_wait3A_200] : memref<32x159x64xi32, #tpu.memory_space<hbm>> -> memref<1x159x64xi32, #tpu.memory_space<hbm>>
      %dma_wait3A_202 = tpu.memref_squeeze %dma_wait3A_201 : memref<1x159x64xi32, #tpu.memory_space<hbm>> -> memref<159x64xi32, #tpu.memory_space<hbm>>
      %dma_wait3A_203 = arith.constant 0 : i32
      %dma_wait3A_204 = arith.constant 0 : i32
      %dma_wait3A_205 = tpu.memref_slice %arg2[%add3A, %dma_wait3A_203, %dma_wait3A_204] : memref<32x159x64xi32, #tpu.memory_space<hbm>> -> memref<1x159x64xi32, #tpu.memory_space<hbm>>
      %dma_wait3A_206 = tpu.memref_squeeze %dma_wait3A_205 : memref<1x159x64xi32, #tpu.memory_space<hbm>> -> memref<159x64xi32, #tpu.memory_space<hbm>>
      tpu.wait_dma2 semaphore(%run_scoped3A : memref<!tpu.dma_semaphore, #tpu.memory_space<semaphore_mem>>) src(%dma_wait3A_206 : memref<159x64xi32, #tpu.memory_space<hbm>>) dst(%arg6 : memref<159x64xi32, #tpu.memory_space<vmem>>)
      tpu.yield
    }) : () -> ()
    %barrier3A = arith.constant 0 : index
    tpu.barrier barrier_id(%barrier3A)
    %scan3A = arith.constant 0 : i32
    %scan3A_181 = arith.constant 159 : i32
    %scan3A_182 = arith.addi %scan3A, %scan3A_181 : i32
    %scan3A_183 = arith.constant 1 : i32
    scf.for %scan3A_193 = %scan3A to %scan3A_182 step %scan3A_183  : i32 {
      %mul3A_194 = arith.constant 1 : i32
      %mul3A_195 = arith.muli %scan3A_193, %mul3A_194 : i32
      %add3A_196 = arith.constant 0 : i32
      %add3A_197 = arith.addi %add3A_196, %mul3A_195 : i32
      "tpu.region"() ({
        %run_scoped3A = tpu.sem_alloc : memref<!tpu.dma_semaphore, #tpu.memory_space<semaphore_mem>>
        %dma_start3A = arith.constant 0 : i32
        %dma_start3A_198 = tpu.memref_slice %arg6[%add3A_197, %dma_start3A] : memref<159x64xi32, #tpu.memory_space<vmem>> -> memref<1x64xi32, #tpu.memory_space<vmem>>
        %dma_start3A_199 = tpu.memref_squeeze %dma_start3A_198 : memref<1x64xi32, #tpu.memory_space<vmem>> -> memref<64xi32, #tpu.memory_space<vmem>>
        %dma_start3A_200 = arith.constant 0 : i32
        %dma_start3A_201 = tpu.memref_slice %arg5[%dma_start3A_200] : memref<10240xf32, #tpu.memory_space<vmem_shared>> -> memref<10240xf32, #tpu.memory_space<vmem_shared>>
        tpu.enqueue_indirect_dma source(%arg7 : memref<64xf32, #tpu.memory_space<vmem>>) target(%dma_start3A_201 : memref<10240xf32, #tpu.memory_space<vmem_shared>>) offsets(%dma_start3A_199 : memref<64xi32, #tpu.memory_space<vmem>>) semaphore(%run_scoped3A : memref<!tpu.dma_semaphore, #tpu.memory_space<semaphore_mem>>) {add = true}
        %dma_wait3A = arith.constant 0 : i32
        %dma_wait3A_202 = tpu.memref_slice %arg6[%add3A_197, %dma_wait3A] : memref<159x64xi32, #tpu.memory_space<vmem>> -> memref<1x64xi32, #tpu.memory_space<vmem>>
        %dma_wait3A_203 = tpu.memref_squeeze %dma_wait3A_202 : memref<1x64xi32, #tpu.memory_space<vmem>> -> memref<64xi32, #tpu.memory_space<vmem>>
        %dma_wait3A_204 = arith.constant 0 : i32
        %dma_wait3A_205 = tpu.memref_slice %arg5[%dma_wait3A_204] : memref<10240xf32, #tpu.memory_space<vmem_shared>> -> memref<10240xf32, #tpu.memory_space<vmem_shared>>
        tpu.wait_indirect_dma semaphore(%run_scoped3A : memref<!tpu.dma_semaphore, #tpu.memory_space<semaphore_mem>>) src(%arg7 : memref<64xf32, #tpu.memory_space<vmem>>) dst(%dma_wait3A_205 : memref<10240xf32, #tpu.memory_space<vmem_shared>>)
        tpu.yield
      }) : () -> ()
    }
    %scan3A_184 = arith.constant 159 : i32
    %barrier3A_185 = arith.constant 0 : index
    tpu.barrier barrier_id(%barrier3A_185)
    %eq3A = arith.constant 0 : i32
    %eq3A_186 = arith.cmpi eq, %arg0, %eq3A : i32
    %convert_element_type3A = arith.extui %eq3A_186 : i1 to i32
    %cond3A = arith.constant 0 : i32
    %cond3A_187 = arith.cmpi ne, %convert_element_type3A, %cond3A : i32
    scf.if %cond3A_187 {
      "tpu.region"() ({
        %run_scoped3A = tpu.sem_alloc : memref<!tpu.dma_semaphore, #tpu.memory_space<semaphore_mem>>
        %dma_start3A = tpu.memref_slice %arg3[%mul3A_180] : memref<10240xf32, #tpu.memory_space<hbm>> -> memref<640xf32, #tpu.memory_space<hbm>>
        %dma_start3A_193 = tpu.memref_slice %arg5[%mul3A_180] : memref<10240xf32, #tpu.memory_space<vmem_shared>> -> memref<640xf32, #tpu.memory_space<vmem_shared>>
        tpu.enqueue_dma source(%dma_start3A_193 : memref<640xf32, #tpu.memory_space<vmem_shared>>) target(%dma_start3A : memref<640xf32, #tpu.memory_space<hbm>>) target_semaphore(%run_scoped3A : memref<!tpu.dma_semaphore, #tpu.memory_space<semaphore_mem>>)
        %dma_wait3A = tpu.memref_slice %arg3[%mul3A_180] : memref<10240xf32, #tpu.memory_space<hbm>> -> memref<640xf32, #tpu.memory_space<hbm>>
        %dma_wait3A_194 = tpu.memref_slice %arg5[%mul3A_180] : memref<10240xf32, #tpu.memory_space<vmem_shared>> -> memref<640xf32, #tpu.memory_space<vmem_shared>>
        tpu.wait_dma2 semaphore(%run_scoped3A : memref<!tpu.dma_semaphore, #tpu.memory_space<semaphore_mem>>) src(%dma_wait3A_194 : memref<640xf32, #tpu.memory_space<vmem_shared>>) dst(%dma_wait3A : memref<640xf32, #tpu.memory_space<hbm>>)
        tpu.yield
      }) : () -> ()
    } else {
    }
    %eq3A_188 = arith.constant 1 : i32
    %eq3A_189 = arith.cmpi eq, %arg0, %eq3A_188 : i32
    %convert_element_type3A_190 = arith.extui %eq3A_189 : i1 to i32
    %cond3A_191 = arith.constant 0 : i32
    %cond3A_192 = arith.cmpi ne, %convert_element_type3A_190, %cond3A_191 : i32
    scf.if %cond3A_192 {
      "tpu.region"() ({
        %run_scoped3A = tpu.sem_alloc : memref<!tpu.dma_semaphore, #tpu.memory_space<semaphore_mem>>
        %dma_start3A = tpu.memref_slice %arg4[%mul3A_180] : memref<10240xf32, #tpu.memory_space<hbm>> -> memref<640xf32, #tpu.memory_space<hbm>>
        %dma_start3A_193 = tpu.memref_slice %arg5[%mul3A_180] : memref<10240xf32, #tpu.memory_space<vmem_shared>> -> memref<640xf32, #tpu.memory_space<vmem_shared>>
        tpu.enqueue_dma source(%dma_start3A_193 : memref<640xf32, #tpu.memory_space<vmem_shared>>) target(%dma_start3A : memref<640xf32, #tpu.memory_space<hbm>>) target_semaphore(%run_scoped3A : memref<!tpu.dma_semaphore, #tpu.memory_space<semaphore_mem>>)
        %dma_wait3A = tpu.memref_slice %arg4[%mul3A_180] : memref<10240xf32, #tpu.memory_space<hbm>> -> memref<640xf32, #tpu.memory_space<hbm>>
        %dma_wait3A_194 = tpu.memref_slice %arg5[%mul3A_180] : memref<10240xf32, #tpu.memory_space<vmem_shared>> -> memref<640xf32, #tpu.memory_space<vmem_shared>>
        tpu.wait_dma2 semaphore(%run_scoped3A : memref<!tpu.dma_semaphore, #tpu.memory_space<semaphore_mem>>) src(%dma_wait3A_194 : memref<640xf32, #tpu.memory_space<vmem_shared>>) dst(%dma_wait3A : memref<640xf32, #tpu.memory_space<hbm>>)
        tpu.yield
      }) : () -> ()
    } else {
    }
    return
  }
}

#map = affine_map<(d0, d1) -> (0, 0)>
module attributes {stable_mosaic.version = 14 : i64} {
  func.func @edge(%arg0: i32, %arg1: i32, %arg2: memref<10240x128xf32, #tpu.memory_space<hbm>>, %arg3: memref<32x10176xi32, #tpu.memory_space<hbm>>, %arg4: memref<32x10176xi32, #tpu.memory_space<hbm>>, %arg5: memref<10240x128xf32, #tpu.memory_space<hbm>>, %arg6: memref<10240x128xf32, #tpu.memory_space<hbm>>, %arg7: memref<10240x128xf32, #tpu.memory_space<vmem_shared>>, %arg8: memref<10176xi32, #tpu.memory_space<vmem>>, %arg9: memref<10176xi32, #tpu.memory_space<vmem>>, %arg10: memref<64x128xf32, #tpu.memory_space<vmem>>, %arg11: memref<64x128xf32, #tpu.memory_space<vmem>>, %arg12: memref<64x128xf32, #tpu.memory_space<vmem>>, %arg13: memref<!tpu.dma_semaphore, #tpu.memory_space<semaphore_mem>>, %arg14: memref<!tpu.dma_semaphore, #tpu.memory_space<semaphore_mem>>, %arg15: memref<!tpu.dma_semaphore, #tpu.memory_space<semaphore_mem>>, %arg16: memref<!tpu.dma_semaphore, #tpu.memory_space<semaphore_mem>>, %arg17: memref<!tpu.dma_semaphore, #tpu.memory_space<semaphore_mem>>, %arg18: memref<!tpu.dma_semaphore, #tpu.memory_space<semaphore_mem>>) attributes {dimension_semantics = [#tpu.dimension_semantics<core_parallel>, #tpu.dimension_semantics<subcore_parallel>], iteration_bounds = array<i64: 2, 16>, scalar_prefetch = 0 : i64, scratch_operands = 12 : i64, tpu.core_type = #tpu.core_type<sc_vector_subcore>, window_params = [{transform_indices = #map}, {transform_indices = #map}, {transform_indices = #map}, {transform_indices = #map}, {transform_indices = #map}]} {
    %mul3A = arith.constant 16 : i32
    %mul3A_0 = arith.muli %arg0, %mul3A : i32
    %add3A = arith.addi %mul3A_0, %arg1 : i32
    %mul3A_1 = arith.constant 640 : i32
    %mul3A_2 = arith.muli %arg1, %mul3A_1 : i32
    %eq3A = arith.constant 0 : i32
    %eq3A_3 = arith.cmpi eq, %arg0, %eq3A : i32
    %convert_element_type3A = arith.extui %eq3A_3 : i1 to i32
    %cond3A = arith.constant 0 : i32
    %cond3A_4 = arith.cmpi ne, %convert_element_type3A, %cond3A : i32
    scf.if %cond3A_4 {
      "tpu.region"() ({
        %run_scoped3A = tpu.sem_alloc : memref<!tpu.dma_semaphore, #tpu.memory_space<semaphore_mem>>
        %dma_start3A_53 = arith.constant 0 : i32
        %dma_start3A_54 = tpu.memref_slice %arg7[%mul3A_2, %dma_start3A_53] : memref<10240x128xf32, #tpu.memory_space<vmem_shared>> -> memref<640x128xf32, #tpu.memory_space<vmem_shared>>
        %dma_start3A_55 = arith.constant 0 : i32
        %dma_start3A_56 = tpu.memref_slice %arg2[%mul3A_2, %dma_start3A_55] : memref<10240x128xf32, #tpu.memory_space<hbm>> -> memref<640x128xf32, #tpu.memory_space<hbm>>
        tpu.enqueue_dma source(%dma_start3A_56 : memref<640x128xf32, #tpu.memory_space<hbm>>) target(%dma_start3A_54 : memref<640x128xf32, #tpu.memory_space<vmem_shared>>) target_semaphore(%run_scoped3A : memref<!tpu.dma_semaphore, #tpu.memory_space<semaphore_mem>>)
        %dma_wait3A_57 = arith.constant 0 : i32
        %dma_wait3A_58 = tpu.memref_slice %arg7[%mul3A_2, %dma_wait3A_57] : memref<10240x128xf32, #tpu.memory_space<vmem_shared>> -> memref<640x128xf32, #tpu.memory_space<vmem_shared>>
        %dma_wait3A_59 = arith.constant 0 : i32
        %dma_wait3A_60 = tpu.memref_slice %arg2[%mul3A_2, %dma_wait3A_59] : memref<10240x128xf32, #tpu.memory_space<hbm>> -> memref<640x128xf32, #tpu.memory_space<hbm>>
        tpu.wait_dma2 semaphore(%run_scoped3A : memref<!tpu.dma_semaphore, #tpu.memory_space<semaphore_mem>>) src(%dma_wait3A_60 : memref<640x128xf32, #tpu.memory_space<hbm>>) dst(%dma_wait3A_58 : memref<640x128xf32, #tpu.memory_space<vmem_shared>>)
        tpu.yield
      }) : () -> ()
    } else {
    }
    %eq3A_5 = arith.constant 1 : i32
    %eq3A_6 = arith.cmpi eq, %arg0, %eq3A_5 : i32
    %convert_element_type3A_7 = arith.extui %eq3A_6 : i1 to i32
    %cond3A_8 = arith.constant 0 : i32
    %cond3A_9 = arith.cmpi ne, %convert_element_type3A_7, %cond3A_8 : i32
    scf.if %cond3A_9 {
      %broadcast_in_dim3A = arith.constant 0.000000e+00 : f32
      %broadcast_in_dim3A_53 = vector.broadcast %broadcast_in_dim3A : f32 to vector<16xf32>
      %scan3A_54 = arith.constant 0 : i32
      %scan3A_55 = arith.constant 64 : i32
      %scan3A_56 = arith.addi %scan3A_54, %scan3A_55 : i32
      %scan3A_57 = arith.constant 1 : i32
      scf.for %scan3A_79 = %scan3A_54 to %scan3A_56 step %scan3A_57  : i32 {
        %mul3A_80 = arith.constant 1 : i32
        %mul3A_81 = arith.muli %scan3A_79, %mul3A_80 : i32
        %add3A_82 = arith.constant 0 : i32
        %add3A_83 = arith.addi %add3A_82, %mul3A_81 : i32
        %swap3A = arith.index_cast %add3A_83 : i32 to index
        %swap3A_84 = arith.constant 0 : index
        %swap3A_85 = tpu.vector_load %arg10[%swap3A, %swap3A_84] {strides = array<i32>} : memref<64x128xf32, #tpu.memory_space<vmem>>, vector<1x16xf32>,
        %swap3A_86 = vector.shape_cast %swap3A_85 : vector<1x16xf32> to vector<16xf32>
        %swap3A_87 = vector.shape_cast %broadcast_in_dim3A_53 : vector<16xf32> to vector<1x16xf32>
        tpu.vector_store %arg10[%swap3A, %swap3A_84], %swap3A_87 {strides = array<i32>} : memref<64x128xf32, #tpu.memory_space<vmem>>, vector<1x16xf32>,
        %swap3A_88 = arith.index_cast %add3A_83 : i32 to index
        %swap3A_89 = arith.constant 16 : index
        %swap3A_90 = tpu.vector_load %arg10[%swap3A_88, %swap3A_89] {strides = array<i32>} : memref<64x128xf32, #tpu.memory_space<vmem>>, vector<1x16xf32>,
        %swap3A_91 = vector.shape_cast %swap3A_90 : vector<1x16xf32> to vector<16xf32>
        %swap3A_92 = vector.shape_cast %broadcast_in_dim3A_53 : vector<16xf32> to vector<1x16xf32>
        tpu.vector_store %arg10[%swap3A_88, %swap3A_89], %swap3A_92 {strides = array<i32>} : memref<64x128xf32, #tpu.memory_space<vmem>>, vector<1x16xf32>,
        %swap3A_93 = arith.index_cast %add3A_83 : i32 to index
        %swap3A_94 = arith.constant 32 : index
        %swap3A_95 = tpu.vector_load %arg10[%swap3A_93, %swap3A_94] {strides = array<i32>} : memref<64x128xf32, #tpu.memory_space<vmem>>, vector<1x16xf32>,
        %swap3A_96 = vector.shape_cast %swap3A_95 : vector<1x16xf32> to vector<16xf32>
        %swap3A_97 = vector.shape_cast %broadcast_in_dim3A_53 : vector<16xf32> to vector<1x16xf32>
        tpu.vector_store %arg10[%swap3A_93, %swap3A_94], %swap3A_97 {strides = array<i32>} : memref<64x128xf32, #tpu.memory_space<vmem>>, vector<1x16xf32>,
        %swap3A_98 = arith.index_cast %add3A_83 : i32 to index
        %swap3A_99 = arith.constant 48 : index
        %swap3A_100 = tpu.vector_load %arg10[%swap3A_98, %swap3A_99] {strides = array<i32>} : memref<64x128xf32, #tpu.memory_space<vmem>>, vector<1x16xf32>,
        %swap3A_101 = vector.shape_cast %swap3A_100 : vector<1x16xf32> to vector<16xf32>
        %swap3A_102 = vector.shape_cast %broadcast_in_dim3A_53 : vector<16xf32> to vector<1x16xf32>
        tpu.vector_store %arg10[%swap3A_98, %swap3A_99], %swap3A_102 {strides = array<i32>} : memref<64x128xf32, #tpu.memory_space<vmem>>, vector<1x16xf32>,
        %swap3A_103 = arith.index_cast %add3A_83 : i32 to index
        %swap3A_104 = arith.constant 64 : index
        %swap3A_105 = tpu.vector_load %arg10[%swap3A_103, %swap3A_104] {strides = array<i32>} : memref<64x128xf32, #tpu.memory_space<vmem>>, vector<1x16xf32>,
        %swap3A_106 = vector.shape_cast %swap3A_105 : vector<1x16xf32> to vector<16xf32>
        %swap3A_107 = vector.shape_cast %broadcast_in_dim3A_53 : vector<16xf32> to vector<1x16xf32>
        tpu.vector_store %arg10[%swap3A_103, %swap3A_104], %swap3A_107 {strides = array<i32>} : memref<64x128xf32, #tpu.memory_space<vmem>>, vector<1x16xf32>,
        %swap3A_108 = arith.index_cast %add3A_83 : i32 to index
        %swap3A_109 = arith.constant 80 : index
        %swap3A_110 = tpu.vector_load %arg10[%swap3A_108, %swap3A_109] {strides = array<i32>} : memref<64x128xf32, #tpu.memory_space<vmem>>, vector<1x16xf32>,
        %swap3A_111 = vector.shape_cast %swap3A_110 : vector<1x16xf32> to vector<16xf32>
        %swap3A_112 = vector.shape_cast %broadcast_in_dim3A_53 : vector<16xf32> to vector<1x16xf32>
        tpu.vector_store %arg10[%swap3A_108, %swap3A_109], %swap3A_112 {strides = array<i32>} : memref<64x128xf32, #tpu.memory_space<vmem>>, vector<1x16xf32>,
        %swap3A_113 = arith.index_cast %add3A_83 : i32 to index
        %swap3A_114 = arith.constant 96 : index
        %swap3A_115 = tpu.vector_load %arg10[%swap3A_113, %swap3A_114] {strides = array<i32>} : memref<64x128xf32, #tpu.memory_space<vmem>>, vector<1x16xf32>,
        %swap3A_116 = vector.shape_cast %swap3A_115 : vector<1x16xf32> to vector<16xf32>
        %swap3A_117 = vector.shape_cast %broadcast_in_dim3A_53 : vector<16xf32> to vector<1x16xf32>
        tpu.vector_store %arg10[%swap3A_113, %swap3A_114], %swap3A_117 {strides = array<i32>} : memref<64x128xf32, #tpu.memory_space<vmem>>, vector<1x16xf32>,
        %swap3A_118 = arith.index_cast %add3A_83 : i32 to index
        %swap3A_119 = arith.constant 112 : index
        %swap3A_120 = tpu.vector_load %arg10[%swap3A_118, %swap3A_119] {strides = array<i32>} : memref<64x128xf32, #tpu.memory_space<vmem>>, vector<1x16xf32>,
        %swap3A_121 = vector.shape_cast %swap3A_120 : vector<1x16xf32> to vector<16xf32>
        %swap3A_122 = vector.shape_cast %broadcast_in_dim3A_53 : vector<16xf32> to vector<1x16xf32>
        tpu.vector_store %arg10[%swap3A_118, %swap3A_119], %swap3A_122 {strides = array<i32>} : memref<64x128xf32, #tpu.memory_space<vmem>>, vector<1x16xf32>,
      }
      %scan3A_58 = arith.constant 64 : i32
      %add3A_59 = arith.constant 0 : i32
      %add3A_60 = arith.addi %mul3A_2, %add3A_59 : i32
      "tpu.region"() ({
        %run_scoped3A = tpu.sem_alloc : memref<!tpu.dma_semaphore, #tpu.memory_space<semaphore_mem>>
        %dma_start3A_79 = arith.constant 0 : i32
        %dma_start3A_80 = tpu.memref_slice %arg7[%add3A_60, %dma_start3A_79] : memref<10240x128xf32, #tpu.memory_space<vmem_shared>> -> memref<64x128xf32, #tpu.memory_space<vmem_shared>>
        %dma_start3A_81 = arith.constant 0 : i32
        %dma_start3A_82 = tpu.memref_slice %arg7[%add3A_60, %dma_start3A_81] : memref<10240x128xf32, #tpu.memory_space<vmem_shared>> -> memref<64x128xf32, #tpu.memory_space<vmem_shared>>
        tpu.enqueue_dma source(%arg10 : memref<64x128xf32, #tpu.memory_space<vmem>>) target(%dma_start3A_82 : memref<64x128xf32, #tpu.memory_space<vmem_shared>>) target_semaphore(%run_scoped3A : memref<!tpu.dma_semaphore, #tpu.memory_space<semaphore_mem>>)
        %dma_wait3A_83 = arith.constant 0 : i32
        %dma_wait3A_84 = tpu.memref_slice %arg7[%add3A_60, %dma_wait3A_83] : memref<10240x128xf32, #tpu.memory_space<vmem_shared>> -> memref<64x128xf32, #tpu.memory_space<vmem_shared>>
        %dma_wait3A_85 = arith.constant 0 : i32
        %dma_wait3A_86 = tpu.memref_slice %arg7[%add3A_60, %dma_wait3A_85] : memref<10240x128xf32, #tpu.memory_space<vmem_shared>> -> memref<64x128xf32, #tpu.memory_space<vmem_shared>>
        tpu.wait_dma2 semaphore(%run_scoped3A : memref<!tpu.dma_semaphore, #tpu.memory_space<semaphore_mem>>) src(%arg10 : memref<64x128xf32, #tpu.memory_space<vmem>>) dst(%dma_wait3A_86 : memref<64x128xf32, #tpu.memory_space<vmem_shared>>)
        tpu.yield
      }) : () -> ()
      %add3A_61 = arith.constant 64 : i32
      %add3A_62 = arith.addi %mul3A_2, %add3A_61 : i32
      "tpu.region"() ({
        %run_scoped3A = tpu.sem_alloc : memref<!tpu.dma_semaphore, #tpu.memory_space<semaphore_mem>>
        %dma_start3A_79 = arith.constant 0 : i32
        %dma_start3A_80 = tpu.memref_slice %arg7[%add3A_62, %dma_start3A_79] : memref<10240x128xf32, #tpu.memory_space<vmem_shared>> -> memref<64x128xf32, #tpu.memory_space<vmem_shared>>
        %dma_start3A_81 = arith.constant 0 : i32
        %dma_start3A_82 = tpu.memref_slice %arg7[%add3A_62, %dma_start3A_81] : memref<10240x128xf32, #tpu.memory_space<vmem_shared>> -> memref<64x128xf32, #tpu.memory_space<vmem_shared>>
        tpu.enqueue_dma source(%arg10 : memref<64x128xf32, #tpu.memory_space<vmem>>) target(%dma_start3A_82 : memref<64x128xf32, #tpu.memory_space<vmem_shared>>) target_semaphore(%run_scoped3A : memref<!tpu.dma_semaphore, #tpu.memory_space<semaphore_mem>>)
        %dma_wait3A_83 = arith.constant 0 : i32
        %dma_wait3A_84 = tpu.memref_slice %arg7[%add3A_62, %dma_wait3A_83] : memref<10240x128xf32, #tpu.memory_space<vmem_shared>> -> memref<64x128xf32, #tpu.memory_space<vmem_shared>>
        %dma_wait3A_85 = arith.constant 0 : i32
        %dma_wait3A_86 = tpu.memref_slice %arg7[%add3A_62, %dma_wait3A_85] : memref<10240x128xf32, #tpu.memory_space<vmem_shared>> -> memref<64x128xf32, #tpu.memory_space<vmem_shared>>
        tpu.wait_dma2 semaphore(%run_scoped3A : memref<!tpu.dma_semaphore, #tpu.memory_space<semaphore_mem>>) src(%arg10 : memref<64x128xf32, #tpu.memory_space<vmem>>) dst(%dma_wait3A_86 : memref<64x128xf32, #tpu.memory_space<vmem_shared>>)
        tpu.yield
      }) : () -> ()
      %add3A_63 = arith.constant 128 : i32
      %add3A_64 = arith.addi %mul3A_2, %add3A_63 : i32
      "tpu.region"() ({
        %run_scoped3A = tpu.sem_alloc : memref<!tpu.dma_semaphore, #tpu.memory_space<semaphore_mem>>
        %dma_start3A_79 = arith.constant 0 : i32
        %dma_start3A_80 = tpu.memref_slice %arg7[%add3A_64, %dma_start3A_79] : memref<10240x128xf32, #tpu.memory_space<vmem_shared>> -> memref<64x128xf32, #tpu.memory_space<vmem_shared>>
        %dma_start3A_81 = arith.constant 0 : i32
        %dma_start3A_82 = tpu.memref_slice %arg7[%add3A_64, %dma_start3A_81] : memref<10240x128xf32, #tpu.memory_space<vmem_shared>> -> memref<64x128xf32, #tpu.memory_space<vmem_shared>>
        tpu.enqueue_dma source(%arg10 : memref<64x128xf32, #tpu.memory_space<vmem>>) target(%dma_start3A_82 : memref<64x128xf32, #tpu.memory_space<vmem_shared>>) target_semaphore(%run_scoped3A : memref<!tpu.dma_semaphore, #tpu.memory_space<semaphore_mem>>)
        %dma_wait3A_83 = arith.constant 0 : i32
        %dma_wait3A_84 = tpu.memref_slice %arg7[%add3A_64, %dma_wait3A_83] : memref<10240x128xf32, #tpu.memory_space<vmem_shared>> -> memref<64x128xf32, #tpu.memory_space<vmem_shared>>
        %dma_wait3A_85 = arith.constant 0 : i32
        %dma_wait3A_86 = tpu.memref_slice %arg7[%add3A_64, %dma_wait3A_85] : memref<10240x128xf32, #tpu.memory_space<vmem_shared>> -> memref<64x128xf32, #tpu.memory_space<vmem_shared>>
        tpu.wait_dma2 semaphore(%run_scoped3A : memref<!tpu.dma_semaphore, #tpu.memory_space<semaphore_mem>>) src(%arg10 : memref<64x128xf32, #tpu.memory_space<vmem>>) dst(%dma_wait3A_86 : memref<64x128xf32, #tpu.memory_space<vmem_shared>>)
        tpu.yield
      }) : () -> ()
      %add3A_65 = arith.constant 192 : i32
      %add3A_66 = arith.addi %mul3A_2, %add3A_65 : i32
      "tpu.region"() ({
        %run_scoped3A = tpu.sem_alloc : memref<!tpu.dma_semaphore, #tpu.memory_space<semaphore_mem>>
        %dma_start3A_79 = arith.constant 0 : i32
        %dma_start3A_80 = tpu.memref_slice %arg7[%add3A_66, %dma_start3A_79] : memref<10240x128xf32, #tpu.memory_space<vmem_shared>> -> memref<64x128xf32, #tpu.memory_space<vmem_shared>>
        %dma_start3A_81 = arith.constant 0 : i32
        %dma_start3A_82 = tpu.memref_slice %arg7[%add3A_66, %dma_start3A_81] : memref<10240x128xf32, #tpu.memory_space<vmem_shared>> -> memref<64x128xf32, #tpu.memory_space<vmem_shared>>
        tpu.enqueue_dma source(%arg10 : memref<64x128xf32, #tpu.memory_space<vmem>>) target(%dma_start3A_82 : memref<64x128xf32, #tpu.memory_space<vmem_shared>>) target_semaphore(%run_scoped3A : memref<!tpu.dma_semaphore, #tpu.memory_space<semaphore_mem>>)
        %dma_wait3A_83 = arith.constant 0 : i32
        %dma_wait3A_84 = tpu.memref_slice %arg7[%add3A_66, %dma_wait3A_83] : memref<10240x128xf32, #tpu.memory_space<vmem_shared>> -> memref<64x128xf32, #tpu.memory_space<vmem_shared>>
        %dma_wait3A_85 = arith.constant 0 : i32
        %dma_wait3A_86 = tpu.memref_slice %arg7[%add3A_66, %dma_wait3A_85] : memref<10240x128xf32, #tpu.memory_space<vmem_shared>> -> memref<64x128xf32, #tpu.memory_space<vmem_shared>>
        tpu.wait_dma2 semaphore(%run_scoped3A : memref<!tpu.dma_semaphore, #tpu.memory_space<semaphore_mem>>) src(%arg10 : memref<64x128xf32, #tpu.memory_space<vmem>>) dst(%dma_wait3A_86 : memref<64x128xf32, #tpu.memory_space<vmem_shared>>)
        tpu.yield
      }) : () -> ()
      %add3A_67 = arith.constant 256 : i32
      %add3A_68 = arith.addi %mul3A_2, %add3A_67 : i32
      "tpu.region"() ({
        %run_scoped3A = tpu.sem_alloc : memref<!tpu.dma_semaphore, #tpu.memory_space<semaphore_mem>>
        %dma_start3A_79 = arith.constant 0 : i32
        %dma_start3A_80 = tpu.memref_slice %arg7[%add3A_68, %dma_start3A_79] : memref<10240x128xf32, #tpu.memory_space<vmem_shared>> -> memref<64x128xf32, #tpu.memory_space<vmem_shared>>
        %dma_start3A_81 = arith.constant 0 : i32
        %dma_start3A_82 = tpu.memref_slice %arg7[%add3A_68, %dma_start3A_81] : memref<10240x128xf32, #tpu.memory_space<vmem_shared>> -> memref<64x128xf32, #tpu.memory_space<vmem_shared>>
        tpu.enqueue_dma source(%arg10 : memref<64x128xf32, #tpu.memory_space<vmem>>) target(%dma_start3A_82 : memref<64x128xf32, #tpu.memory_space<vmem_shared>>) target_semaphore(%run_scoped3A : memref<!tpu.dma_semaphore, #tpu.memory_space<semaphore_mem>>)
        %dma_wait3A_83 = arith.constant 0 : i32
        %dma_wait3A_84 = tpu.memref_slice %arg7[%add3A_68, %dma_wait3A_83] : memref<10240x128xf32, #tpu.memory_space<vmem_shared>> -> memref<64x128xf32, #tpu.memory_space<vmem_shared>>
        %dma_wait3A_85 = arith.constant 0 : i32
        %dma_wait3A_86 = tpu.memref_slice %arg7[%add3A_68, %dma_wait3A_85] : memref<10240x128xf32, #tpu.memory_space<vmem_shared>> -> memref<64x128xf32, #tpu.memory_space<vmem_shared>>
        tpu.wait_dma2 semaphore(%run_scoped3A : memref<!tpu.dma_semaphore, #tpu.memory_space<semaphore_mem>>) src(%arg10 : memref<64x128xf32, #tpu.memory_space<vmem>>) dst(%dma_wait3A_86 : memref<64x128xf32, #tpu.memory_space<vmem_shared>>)
        tpu.yield
      }) : () -> ()
      %add3A_69 = arith.constant 320 : i32
      %add3A_70 = arith.addi %mul3A_2, %add3A_69 : i32
      "tpu.region"() ({
        %run_scoped3A = tpu.sem_alloc : memref<!tpu.dma_semaphore, #tpu.memory_space<semaphore_mem>>
        %dma_start3A_79 = arith.constant 0 : i32
        %dma_start3A_80 = tpu.memref_slice %arg7[%add3A_70, %dma_start3A_79] : memref<10240x128xf32, #tpu.memory_space<vmem_shared>> -> memref<64x128xf32, #tpu.memory_space<vmem_shared>>
        %dma_start3A_81 = arith.constant 0 : i32
        %dma_start3A_82 = tpu.memref_slice %arg7[%add3A_70, %dma_start3A_81] : memref<10240x128xf32, #tpu.memory_space<vmem_shared>> -> memref<64x128xf32, #tpu.memory_space<vmem_shared>>
        tpu.enqueue_dma source(%arg10 : memref<64x128xf32, #tpu.memory_space<vmem>>) target(%dma_start3A_82 : memref<64x128xf32, #tpu.memory_space<vmem_shared>>) target_semaphore(%run_scoped3A : memref<!tpu.dma_semaphore, #tpu.memory_space<semaphore_mem>>)
        %dma_wait3A_83 = arith.constant 0 : i32
        %dma_wait3A_84 = tpu.memref_slice %arg7[%add3A_70, %dma_wait3A_83] : memref<10240x128xf32, #tpu.memory_space<vmem_shared>> -> memref<64x128xf32, #tpu.memory_space<vmem_shared>>
        %dma_wait3A_85 = arith.constant 0 : i32
        %dma_wait3A_86 = tpu.memref_slice %arg7[%add3A_70, %dma_wait3A_85] : memref<10240x128xf32, #tpu.memory_space<vmem_shared>> -> memref<64x128xf32, #tpu.memory_space<vmem_shared>>
        tpu.wait_dma2 semaphore(%run_scoped3A : memref<!tpu.dma_semaphore, #tpu.memory_space<semaphore_mem>>) src(%arg10 : memref<64x128xf32, #tpu.memory_space<vmem>>) dst(%dma_wait3A_86 : memref<64x128xf32, #tpu.memory_space<vmem_shared>>)
        tpu.yield
      }) : () -> ()
      %add3A_71 = arith.constant 384 : i32
      %add3A_72 = arith.addi %mul3A_2, %add3A_71 : i32
      "tpu.region"() ({
        %run_scoped3A = tpu.sem_alloc : memref<!tpu.dma_semaphore, #tpu.memory_space<semaphore_mem>>
        %dma_start3A_79 = arith.constant 0 : i32
        %dma_start3A_80 = tpu.memref_slice %arg7[%add3A_72, %dma_start3A_79] : memref<10240x128xf32, #tpu.memory_space<vmem_shared>> -> memref<64x128xf32, #tpu.memory_space<vmem_shared>>
        %dma_start3A_81 = arith.constant 0 : i32
        %dma_start3A_82 = tpu.memref_slice %arg7[%add3A_72, %dma_start3A_81] : memref<10240x128xf32, #tpu.memory_space<vmem_shared>> -> memref<64x128xf32, #tpu.memory_space<vmem_shared>>
        tpu.enqueue_dma source(%arg10 : memref<64x128xf32, #tpu.memory_space<vmem>>) target(%dma_start3A_82 : memref<64x128xf32, #tpu.memory_space<vmem_shared>>) target_semaphore(%run_scoped3A : memref<!tpu.dma_semaphore, #tpu.memory_space<semaphore_mem>>)
        %dma_wait3A_83 = arith.constant 0 : i32
        %dma_wait3A_84 = tpu.memref_slice %arg7[%add3A_72, %dma_wait3A_83] : memref<10240x128xf32, #tpu.memory_space<vmem_shared>> -> memref<64x128xf32, #tpu.memory_space<vmem_shared>>
        %dma_wait3A_85 = arith.constant 0 : i32
        %dma_wait3A_86 = tpu.memref_slice %arg7[%add3A_72, %dma_wait3A_85] : memref<10240x128xf32, #tpu.memory_space<vmem_shared>> -> memref<64x128xf32, #tpu.memory_space<vmem_shared>>
        tpu.wait_dma2 semaphore(%run_scoped3A : memref<!tpu.dma_semaphore, #tpu.memory_space<semaphore_mem>>) src(%arg10 : memref<64x128xf32, #tpu.memory_space<vmem>>) dst(%dma_wait3A_86 : memref<64x128xf32, #tpu.memory_space<vmem_shared>>)
        tpu.yield
      }) : () -> ()
      %add3A_73 = arith.constant 448 : i32
      %add3A_74 = arith.addi %mul3A_2, %add3A_73 : i32
      "tpu.region"() ({
        %run_scoped3A = tpu.sem_alloc : memref<!tpu.dma_semaphore, #tpu.memory_space<semaphore_mem>>
        %dma_start3A_79 = arith.constant 0 : i32
        %dma_start3A_80 = tpu.memref_slice %arg7[%add3A_74, %dma_start3A_79] : memref<10240x128xf32, #tpu.memory_space<vmem_shared>> -> memref<64x128xf32, #tpu.memory_space<vmem_shared>>
        %dma_start3A_81 = arith.constant 0 : i32
        %dma_start3A_82 = tpu.memref_slice %arg7[%add3A_74, %dma_start3A_81] : memref<10240x128xf32, #tpu.memory_space<vmem_shared>> -> memref<64x128xf32, #tpu.memory_space<vmem_shared>>
        tpu.enqueue_dma source(%arg10 : memref<64x128xf32, #tpu.memory_space<vmem>>) target(%dma_start3A_82 : memref<64x128xf32, #tpu.memory_space<vmem_shared>>) target_semaphore(%run_scoped3A : memref<!tpu.dma_semaphore, #tpu.memory_space<semaphore_mem>>)
        %dma_wait3A_83 = arith.constant 0 : i32
        %dma_wait3A_84 = tpu.memref_slice %arg7[%add3A_74, %dma_wait3A_83] : memref<10240x128xf32, #tpu.memory_space<vmem_shared>> -> memref<64x128xf32, #tpu.memory_space<vmem_shared>>
        %dma_wait3A_85 = arith.constant 0 : i32
        %dma_wait3A_86 = tpu.memref_slice %arg7[%add3A_74, %dma_wait3A_85] : memref<10240x128xf32, #tpu.memory_space<vmem_shared>> -> memref<64x128xf32, #tpu.memory_space<vmem_shared>>
        tpu.wait_dma2 semaphore(%run_scoped3A : memref<!tpu.dma_semaphore, #tpu.memory_space<semaphore_mem>>) src(%arg10 : memref<64x128xf32, #tpu.memory_space<vmem>>) dst(%dma_wait3A_86 : memref<64x128xf32, #tpu.memory_space<vmem_shared>>)
        tpu.yield
      }) : () -> ()
      %add3A_75 = arith.constant 512 : i32
      %add3A_76 = arith.addi %mul3A_2, %add3A_75 : i32
      "tpu.region"() ({
        %run_scoped3A = tpu.sem_alloc : memref<!tpu.dma_semaphore, #tpu.memory_space<semaphore_mem>>
        %dma_start3A_79 = arith.constant 0 : i32
        %dma_start3A_80 = tpu.memref_slice %arg7[%add3A_76, %dma_start3A_79] : memref<10240x128xf32, #tpu.memory_space<vmem_shared>> -> memref<64x128xf32, #tpu.memory_space<vmem_shared>>
        %dma_start3A_81 = arith.constant 0 : i32
        %dma_start3A_82 = tpu.memref_slice %arg7[%add3A_76, %dma_start3A_81] : memref<10240x128xf32, #tpu.memory_space<vmem_shared>> -> memref<64x128xf32, #tpu.memory_space<vmem_shared>>
        tpu.enqueue_dma source(%arg10 : memref<64x128xf32, #tpu.memory_space<vmem>>) target(%dma_start3A_82 : memref<64x128xf32, #tpu.memory_space<vmem_shared>>) target_semaphore(%run_scoped3A : memref<!tpu.dma_semaphore, #tpu.memory_space<semaphore_mem>>)
        %dma_wait3A_83 = arith.constant 0 : i32
        %dma_wait3A_84 = tpu.memref_slice %arg7[%add3A_76, %dma_wait3A_83] : memref<10240x128xf32, #tpu.memory_space<vmem_shared>> -> memref<64x128xf32, #tpu.memory_space<vmem_shared>>
        %dma_wait3A_85 = arith.constant 0 : i32
        %dma_wait3A_86 = tpu.memref_slice %arg7[%add3A_76, %dma_wait3A_85] : memref<10240x128xf32, #tpu.memory_space<vmem_shared>> -> memref<64x128xf32, #tpu.memory_space<vmem_shared>>
        tpu.wait_dma2 semaphore(%run_scoped3A : memref<!tpu.dma_semaphore, #tpu.memory_space<semaphore_mem>>) src(%arg10 : memref<64x128xf32, #tpu.memory_space<vmem>>) dst(%dma_wait3A_86 : memref<64x128xf32, #tpu.memory_space<vmem_shared>>)
        tpu.yield
      }) : () -> ()
      %add3A_77 = arith.constant 576 : i32
      %add3A_78 = arith.addi %mul3A_2, %add3A_77 : i32
      "tpu.region"() ({
        %run_scoped3A = tpu.sem_alloc : memref<!tpu.dma_semaphore, #tpu.memory_space<semaphore_mem>>
        %dma_start3A_79 = arith.constant 0 : i32
        %dma_start3A_80 = tpu.memref_slice %arg7[%add3A_78, %dma_start3A_79] : memref<10240x128xf32, #tpu.memory_space<vmem_shared>> -> memref<64x128xf32, #tpu.memory_space<vmem_shared>>
        %dma_start3A_81 = arith.constant 0 : i32
        %dma_start3A_82 = tpu.memref_slice %arg7[%add3A_78, %dma_start3A_81] : memref<10240x128xf32, #tpu.memory_space<vmem_shared>> -> memref<64x128xf32, #tpu.memory_space<vmem_shared>>
        tpu.enqueue_dma source(%arg10 : memref<64x128xf32, #tpu.memory_space<vmem>>) target(%dma_start3A_82 : memref<64x128xf32, #tpu.memory_space<vmem_shared>>) target_semaphore(%run_scoped3A : memref<!tpu.dma_semaphore, #tpu.memory_space<semaphore_mem>>)
        %dma_wait3A_83 = arith.constant 0 : i32
        %dma_wait3A_84 = tpu.memref_slice %arg7[%add3A_78, %dma_wait3A_83] : memref<10240x128xf32, #tpu.memory_space<vmem_shared>> -> memref<64x128xf32, #tpu.memory_space<vmem_shared>>
        %dma_wait3A_85 = arith.constant 0 : i32
        %dma_wait3A_86 = tpu.memref_slice %arg7[%add3A_78, %dma_wait3A_85] : memref<10240x128xf32, #tpu.memory_space<vmem_shared>> -> memref<64x128xf32, #tpu.memory_space<vmem_shared>>
        tpu.wait_dma2 semaphore(%run_scoped3A : memref<!tpu.dma_semaphore, #tpu.memory_space<semaphore_mem>>) src(%arg10 : memref<64x128xf32, #tpu.memory_space<vmem>>) dst(%dma_wait3A_86 : memref<64x128xf32, #tpu.memory_space<vmem_shared>>)
        tpu.yield
      }) : () -> ()
    } else {
    }
    "tpu.region"() ({
      %run_scoped3A = tpu.sem_alloc : memref<!tpu.dma_semaphore, #tpu.memory_space<semaphore_mem>>
      %dma_start3A_53 = arith.constant 0 : i32
      %dma_start3A_54 = tpu.memref_slice %arg3[%add3A, %dma_start3A_53] : memref<32x10176xi32, #tpu.memory_space<hbm>> -> memref<1x10176xi32, #tpu.memory_space<hbm>>
      %dma_start3A_55 = tpu.memref_squeeze %dma_start3A_54 : memref<1x10176xi32, #tpu.memory_space<hbm>> -> memref<10176xi32, #tpu.memory_space<hbm>>
      %dma_start3A_56 = arith.constant 0 : i32
      %dma_start3A_57 = tpu.memref_slice %arg3[%add3A, %dma_start3A_56] : memref<32x10176xi32, #tpu.memory_space<hbm>> -> memref<1x10176xi32, #tpu.memory_space<hbm>>
      %dma_start3A_58 = tpu.memref_squeeze %dma_start3A_57 : memref<1x10176xi32, #tpu.memory_space<hbm>> -> memref<10176xi32, #tpu.memory_space<hbm>>
      tpu.enqueue_dma source(%dma_start3A_58 : memref<10176xi32, #tpu.memory_space<hbm>>) target(%arg8 : memref<10176xi32, #tpu.memory_space<vmem>>) target_semaphore(%run_scoped3A : memref<!tpu.dma_semaphore, #tpu.memory_space<semaphore_mem>>)
      %dma_wait3A_59 = arith.constant 0 : i32
      %dma_wait3A_60 = tpu.memref_slice %arg3[%add3A, %dma_wait3A_59] : memref<32x10176xi32, #tpu.memory_space<hbm>> -> memref<1x10176xi32, #tpu.memory_space<hbm>>
      %dma_wait3A_61 = tpu.memref_squeeze %dma_wait3A_60 : memref<1x10176xi32, #tpu.memory_space<hbm>> -> memref<10176xi32, #tpu.memory_space<hbm>>
      %dma_wait3A_62 = arith.constant 0 : i32
      %dma_wait3A_63 = tpu.memref_slice %arg3[%add3A, %dma_wait3A_62] : memref<32x10176xi32, #tpu.memory_space<hbm>> -> memref<1x10176xi32, #tpu.memory_space<hbm>>
      %dma_wait3A_64 = tpu.memref_squeeze %dma_wait3A_63 : memref<1x10176xi32, #tpu.memory_space<hbm>> -> memref<10176xi32, #tpu.memory_space<hbm>>
      tpu.wait_dma2 semaphore(%run_scoped3A : memref<!tpu.dma_semaphore, #tpu.memory_space<semaphore_mem>>) src(%dma_wait3A_64 : memref<10176xi32, #tpu.memory_space<hbm>>) dst(%arg8 : memref<10176xi32, #tpu.memory_space<vmem>>)
      tpu.yield
    }) : () -> ()
    "tpu.region"() ({
      %run_scoped3A = tpu.sem_alloc : memref<!tpu.dma_semaphore, #tpu.memory_space<semaphore_mem>>
      %dma_start3A_53 = arith.constant 0 : i32
      %dma_start3A_54 = tpu.memref_slice %arg4[%add3A, %dma_start3A_53] : memref<32x10176xi32, #tpu.memory_space<hbm>> -> memref<1x10176xi32, #tpu.memory_space<hbm>>
      %dma_start3A_55 = tpu.memref_squeeze %dma_start3A_54 : memref<1x10176xi32, #tpu.memory_space<hbm>> -> memref<10176xi32, #tpu.memory_space<hbm>>
      %dma_start3A_56 = arith.constant 0 : i32
      %dma_start3A_57 = tpu.memref_slice %arg4[%add3A, %dma_start3A_56] : memref<32x10176xi32, #tpu.memory_space<hbm>> -> memref<1x10176xi32, #tpu.memory_space<hbm>>
      %dma_start3A_58 = tpu.memref_squeeze %dma_start3A_57 : memref<1x10176xi32, #tpu.memory_space<hbm>> -> memref<10176xi32, #tpu.memory_space<hbm>>
      tpu.enqueue_dma source(%dma_start3A_58 : memref<10176xi32, #tpu.memory_space<hbm>>) target(%arg9 : memref<10176xi32, #tpu.memory_space<vmem>>) target_semaphore(%run_scoped3A : memref<!tpu.dma_semaphore, #tpu.memory_space<semaphore_mem>>)
      %dma_wait3A_59 = arith.constant 0 : i32
      %dma_wait3A_60 = tpu.memref_slice %arg4[%add3A, %dma_wait3A_59] : memref<32x10176xi32, #tpu.memory_space<hbm>> -> memref<1x10176xi32, #tpu.memory_space<hbm>>
      %dma_wait3A_61 = tpu.memref_squeeze %dma_wait3A_60 : memref<1x10176xi32, #tpu.memory_space<hbm>> -> memref<10176xi32, #tpu.memory_space<hbm>>
      %dma_wait3A_62 = arith.constant 0 : i32
      %dma_wait3A_63 = tpu.memref_slice %arg4[%add3A, %dma_wait3A_62] : memref<32x10176xi32, #tpu.memory_space<hbm>> -> memref<1x10176xi32, #tpu.memory_space<hbm>>
      %dma_wait3A_64 = tpu.memref_squeeze %dma_wait3A_63 : memref<1x10176xi32, #tpu.memory_space<hbm>> -> memref<10176xi32, #tpu.memory_space<hbm>>
      tpu.wait_dma2 semaphore(%run_scoped3A : memref<!tpu.dma_semaphore, #tpu.memory_space<semaphore_mem>>) src(%dma_wait3A_64 : memref<10176xi32, #tpu.memory_space<hbm>>) dst(%arg9 : memref<10176xi32, #tpu.memory_space<vmem>>)
      tpu.yield
    }) : () -> ()
    %barrier3A = arith.constant 0 : index
    tpu.barrier barrier_id(%barrier3A)
    %dma_start3A = arith.constant 0 : i32
    %dma_start3A_10 = tpu.memref_slice %arg8[%dma_start3A] : memref<10176xi32, #tpu.memory_space<vmem>> -> memref<64xi32, #tpu.memory_space<vmem>>
    %dma_start3A_11 = arith.constant 0 : i32
    %dma_start3A_12 = arith.constant 0 : i32
    %dma_start3A_13 = tpu.memref_slice %arg2[%dma_start3A_11, %dma_start3A_12] : memref<10240x128xf32, #tpu.memory_space<hbm>> -> memref<10240x128xf32, #tpu.memory_space<hbm>>
    tpu.enqueue_indirect_dma source(%dma_start3A_13 : memref<10240x128xf32, #tpu.memory_space<hbm>>) target(%arg10 : memref<64x128xf32, #tpu.memory_space<vmem>>) offsets(%dma_start3A_10 : memref<64xi32, #tpu.memory_space<vmem>>) semaphore(%arg13 : memref<!tpu.dma_semaphore, #tpu.memory_space<semaphore_mem>>)
    %dma_start3A_14 = arith.constant 64 : i32
    %dma_start3A_15 = tpu.memref_slice %arg8[%dma_start3A_14] : memref<10176xi32, #tpu.memory_space<vmem>> -> memref<64xi32, #tpu.memory_space<vmem>>
    %dma_start3A_16 = arith.constant 0 : i32
    %dma_start3A_17 = arith.constant 0 : i32
    %dma_start3A_18 = tpu.memref_slice %arg2[%dma_start3A_16, %dma_start3A_17] : memref<10240x128xf32, #tpu.memory_space<hbm>> -> memref<10240x128xf32, #tpu.memory_space<hbm>>
    tpu.enqueue_indirect_dma source(%dma_start3A_18 : memref<10240x128xf32, #tpu.memory_space<hbm>>) target(%arg11 : memref<64x128xf32, #tpu.memory_space<vmem>>) offsets(%dma_start3A_15 : memref<64xi32, #tpu.memory_space<vmem>>) semaphore(%arg14 : memref<!tpu.dma_semaphore, #tpu.memory_space<semaphore_mem>>)
    %dma_start3A_19 = arith.constant 128 : i32
    %dma_start3A_20 = tpu.memref_slice %arg8[%dma_start3A_19] : memref<10176xi32, #tpu.memory_space<vmem>> -> memref<64xi32, #tpu.memory_space<vmem>>
    %dma_start3A_21 = arith.constant 0 : i32
    %dma_start3A_22 = arith.constant 0 : i32
    %dma_start3A_23 = tpu.memref_slice %arg2[%dma_start3A_21, %dma_start3A_22] : memref<10240x128xf32, #tpu.memory_space<hbm>> -> memref<10240x128xf32, #tpu.memory_space<hbm>>
    tpu.enqueue_indirect_dma source(%dma_start3A_23 : memref<10240x128xf32, #tpu.memory_space<hbm>>) target(%arg12 : memref<64x128xf32, #tpu.memory_space<vmem>>) offsets(%dma_start3A_20 : memref<64xi32, #tpu.memory_space<vmem>>) semaphore(%arg15 : memref<!tpu.dma_semaphore, #tpu.memory_space<semaphore_mem>>)
    %scan3A = arith.constant 0 : i32
    %scan3A_24 = arith.constant 53 : i32
    %scan3A_25 = arith.addi %scan3A, %scan3A_24 : i32
    %scan3A_26 = arith.constant 1 : i32
    scf.for %scan3A_53 = %scan3A to %scan3A_25 step %scan3A_26  : i32 {
      %mul3A_54 = arith.constant 1 : i32
      %mul3A_55 = arith.muli %scan3A_53, %mul3A_54 : i32
      %add3A_56 = arith.constant 0 : i32
      %add3A_57 = arith.addi %add3A_56, %mul3A_55 : i32
      %mul3A_58 = arith.constant 3 : i32
      %mul3A_59 = arith.muli %add3A_57, %mul3A_58 : i32
      %add3A_60 = arith.constant 0 : i32
      %add3A_61 = arith.addi %mul3A_59, %add3A_60 : i32
      %mul3A_62 = arith.constant 64 : i32
      %mul3A_63 = arith.muli %add3A_61, %mul3A_62 : i32
      %dma_wait3A_64 = tpu.memref_slice %arg8[%mul3A_63] : memref<10176xi32, #tpu.memory_space<vmem>> -> memref<64xi32, #tpu.memory_space<vmem>>
      %dma_wait3A_65 = arith.constant 0 : i32
      %dma_wait3A_66 = arith.constant 0 : i32
      %dma_wait3A_67 = tpu.memref_slice %arg2[%dma_wait3A_65, %dma_wait3A_66] : memref<10240x128xf32, #tpu.memory_space<hbm>> -> memref<10240x128xf32, #tpu.memory_space<hbm>>
      tpu.wait_indirect_dma semaphore(%arg13 : memref<!tpu.dma_semaphore, #tpu.memory_space<semaphore_mem>>) src(%dma_wait3A_67 : memref<10240x128xf32, #tpu.memory_space<hbm>>) dst(%arg10 : memref<64x128xf32, #tpu.memory_space<vmem>>)
      %add3A_68 = arith.constant 0 : i32
      %add3A_69 = arith.addi %mul3A_59, %add3A_68 : i32
      %mul3A_70 = arith.constant 64 : i32
      %mul3A_71 = arith.muli %add3A_69, %mul3A_70 : i32
      %dma_start3A_72 = tpu.memref_slice %arg9[%mul3A_71] : memref<10176xi32, #tpu.memory_space<vmem>> -> memref<64xi32, #tpu.memory_space<vmem>>
      %dma_start3A_73 = arith.constant 0 : i32
      %dma_start3A_74 = arith.constant 0 : i32
      %dma_start3A_75 = tpu.memref_slice %arg7[%dma_start3A_73, %dma_start3A_74] : memref<10240x128xf32, #tpu.memory_space<vmem_shared>> -> memref<10240x128xf32, #tpu.memory_space<vmem_shared>>
      tpu.enqueue_indirect_dma source(%arg10 : memref<64x128xf32, #tpu.memory_space<vmem>>) target(%dma_start3A_75 : memref<10240x128xf32, #tpu.memory_space<vmem_shared>>) offsets(%dma_start3A_72 : memref<64xi32, #tpu.memory_space<vmem>>) semaphore(%arg16 : memref<!tpu.dma_semaphore, #tpu.memory_space<semaphore_mem>>) {add = true}
      %add3A_76 = arith.constant 1 : i32
      %add3A_77 = arith.addi %mul3A_59, %add3A_76 : i32
      %mul3A_78 = arith.constant 64 : i32
      %mul3A_79 = arith.muli %add3A_77, %mul3A_78 : i32
      %dma_wait3A_80 = tpu.memref_slice %arg8[%mul3A_79] : memref<10176xi32, #tpu.memory_space<vmem>> -> memref<64xi32, #tpu.memory_space<vmem>>
      %dma_wait3A_81 = arith.constant 0 : i32
      %dma_wait3A_82 = arith.constant 0 : i32
      %dma_wait3A_83 = tpu.memref_slice %arg2[%dma_wait3A_81, %dma_wait3A_82] : memref<10240x128xf32, #tpu.memory_space<hbm>> -> memref<10240x128xf32, #tpu.memory_space<hbm>>
      tpu.wait_indirect_dma semaphore(%arg14 : memref<!tpu.dma_semaphore, #tpu.memory_space<semaphore_mem>>) src(%dma_wait3A_83 : memref<10240x128xf32, #tpu.memory_space<hbm>>) dst(%arg11 : memref<64x128xf32, #tpu.memory_space<vmem>>)
      %add3A_84 = arith.constant 1 : i32
      %add3A_85 = arith.addi %mul3A_59, %add3A_84 : i32
      %mul3A_86 = arith.constant 64 : i32
      %mul3A_87 = arith.muli %add3A_85, %mul3A_86 : i32
      %dma_start3A_88 = tpu.memref_slice %arg9[%mul3A_87] : memref<10176xi32, #tpu.memory_space<vmem>> -> memref<64xi32, #tpu.memory_space<vmem>>
      %dma_start3A_89 = arith.constant 0 : i32
      %dma_start3A_90 = arith.constant 0 : i32
      %dma_start3A_91 = tpu.memref_slice %arg7[%dma_start3A_89, %dma_start3A_90] : memref<10240x128xf32, #tpu.memory_space<vmem_shared>> -> memref<10240x128xf32, #tpu.memory_space<vmem_shared>>
      tpu.enqueue_indirect_dma source(%arg11 : memref<64x128xf32, #tpu.memory_space<vmem>>) target(%dma_start3A_91 : memref<10240x128xf32, #tpu.memory_space<vmem_shared>>) offsets(%dma_start3A_88 : memref<64xi32, #tpu.memory_space<vmem>>) semaphore(%arg17 : memref<!tpu.dma_semaphore, #tpu.memory_space<semaphore_mem>>) {add = true}
      %add3A_92 = arith.constant 2 : i32
      %add3A_93 = arith.addi %mul3A_59, %add3A_92 : i32
      %mul3A_94 = arith.constant 64 : i32
      %mul3A_95 = arith.muli %add3A_93, %mul3A_94 : i32
      %dma_wait3A_96 = tpu.memref_slice %arg8[%mul3A_95] : memref<10176xi32, #tpu.memory_space<vmem>> -> memref<64xi32, #tpu.memory_space<vmem>>
      %dma_wait3A_97 = arith.constant 0 : i32
      %dma_wait3A_98 = arith.constant 0 : i32
      %dma_wait3A_99 = tpu.memref_slice %arg2[%dma_wait3A_97, %dma_wait3A_98] : memref<10240x128xf32, #tpu.memory_space<hbm>> -> memref<10240x128xf32, #tpu.memory_space<hbm>>
      tpu.wait_indirect_dma semaphore(%arg15 : memref<!tpu.dma_semaphore, #tpu.memory_space<semaphore_mem>>) src(%dma_wait3A_99 : memref<10240x128xf32, #tpu.memory_space<hbm>>) dst(%arg12 : memref<64x128xf32, #tpu.memory_space<vmem>>)
      %add3A_100 = arith.constant 2 : i32
      %add3A_101 = arith.addi %mul3A_59, %add3A_100 : i32
      %mul3A_102 = arith.constant 64 : i32
      %mul3A_103 = arith.muli %add3A_101, %mul3A_102 : i32
      %dma_start3A_104 = tpu.memref_slice %arg9[%mul3A_103] : memref<10176xi32, #tpu.memory_space<vmem>> -> memref<64xi32, #tpu.memory_space<vmem>>
      %dma_start3A_105 = arith.constant 0 : i32
      %dma_start3A_106 = arith.constant 0 : i32
      %dma_start3A_107 = tpu.memref_slice %arg7[%dma_start3A_105, %dma_start3A_106] : memref<10240x128xf32, #tpu.memory_space<vmem_shared>> -> memref<10240x128xf32, #tpu.memory_space<vmem_shared>>
      tpu.enqueue_indirect_dma source(%arg12 : memref<64x128xf32, #tpu.memory_space<vmem>>) target(%dma_start3A_107 : memref<10240x128xf32, #tpu.memory_space<vmem_shared>>) offsets(%dma_start3A_104 : memref<64xi32, #tpu.memory_space<vmem>>) semaphore(%arg18 : memref<!tpu.dma_semaphore, #tpu.memory_space<semaphore_mem>>) {add = true}
      %add3A_108 = arith.constant 0 : i32
      %add3A_109 = arith.addi %mul3A_59, %add3A_108 : i32
      %add3A_110 = arith.constant 3 : i32
      %add3A_111 = arith.addi %add3A_109, %add3A_110 : i32
      %lt3A = arith.constant 159 : i32
      %lt3A_112 = arith.cmpi slt, %add3A_111, %lt3A : i32
      %convert_element_type3A_113 = arith.extui %lt3A_112 : i1 to i32
      %cond3A_114 = arith.constant 0 : i32
      %cond3A_115 = arith.cmpi ne, %convert_element_type3A_113, %cond3A_114 : i32
      scf.if %cond3A_115 {
        %dma_wait3A_134 = tpu.memref_slice %arg9[%mul3A_71] : memref<10176xi32, #tpu.memory_space<vmem>> -> memref<64xi32, #tpu.memory_space<vmem>>
        %dma_wait3A_135 = arith.constant 0 : i32
        %dma_wait3A_136 = arith.constant 0 : i32
        %dma_wait3A_137 = tpu.memref_slice %arg7[%dma_wait3A_135, %dma_wait3A_136] : memref<10240x128xf32, #tpu.memory_space<vmem_shared>> -> memref<10240x128xf32, #tpu.memory_space<vmem_shared>>
        tpu.wait_indirect_dma semaphore(%arg16 : memref<!tpu.dma_semaphore, #tpu.memory_space<semaphore_mem>>) src(%arg10 : memref<64x128xf32, #tpu.memory_space<vmem>>) dst(%dma_wait3A_137 : memref<10240x128xf32, #tpu.memory_space<vmem_shared>>)
        %add3A_138 = arith.constant 0 : i32
        %add3A_139 = arith.addi %mul3A_59, %add3A_138 : i32
        %add3A_140 = arith.constant 3 : i32
        %add3A_141 = arith.addi %add3A_139, %add3A_140 : i32
        %mul3A_142 = arith.constant 64 : i32
        %mul3A_143 = arith.muli %add3A_141, %mul3A_142 : i32
        %dma_start3A_144 = tpu.memref_slice %arg8[%mul3A_143] : memref<10176xi32, #tpu.memory_space<vmem>> -> memref<64xi32, #tpu.memory_space<vmem>>
        %dma_start3A_145 = arith.constant 0 : i32
        %dma_start3A_146 = arith.constant 0 : i32
        %dma_start3A_147 = tpu.memref_slice %arg2[%dma_start3A_145, %dma_start3A_146] : memref<10240x128xf32, #tpu.memory_space<hbm>> -> memref<10240x128xf32, #tpu.memory_space<hbm>>
        tpu.enqueue_indirect_dma source(%dma_start3A_147 : memref<10240x128xf32, #tpu.memory_space<hbm>>) target(%arg10 : memref<64x128xf32, #tpu.memory_space<vmem>>) offsets(%dma_start3A_144 : memref<64xi32, #tpu.memory_space<vmem>>) semaphore(%arg13 : memref<!tpu.dma_semaphore, #tpu.memory_space<semaphore_mem>>)
      } else {
      }
      %add3A_116 = arith.constant 1 : i32
      %add3A_117 = arith.addi %mul3A_59, %add3A_116 : i32
      %add3A_118 = arith.constant 3 : i32
      %add3A_119 = arith.addi %add3A_117, %add3A_118 : i32
      %lt3A_120 = arith.constant 159 : i32
      %lt3A_121 = arith.cmpi slt, %add3A_119, %lt3A_120 : i32
      %convert_element_type3A_122 = arith.extui %lt3A_121 : i1 to i32
      %cond3A_123 = arith.constant 0 : i32
      %cond3A_124 = arith.cmpi ne, %convert_element_type3A_122, %cond3A_123 : i32
      scf.if %cond3A_124 {
        %dma_wait3A_134 = tpu.memref_slice %arg9[%mul3A_87] : memref<10176xi32, #tpu.memory_space<vmem>> -> memref<64xi32, #tpu.memory_space<vmem>>
        %dma_wait3A_135 = arith.constant 0 : i32
        %dma_wait3A_136 = arith.constant 0 : i32
        %dma_wait3A_137 = tpu.memref_slice %arg7[%dma_wait3A_135, %dma_wait3A_136] : memref<10240x128xf32, #tpu.memory_space<vmem_shared>> -> memref<10240x128xf32, #tpu.memory_space<vmem_shared>>
        tpu.wait_indirect_dma semaphore(%arg17 : memref<!tpu.dma_semaphore, #tpu.memory_space<semaphore_mem>>) src(%arg11 : memref<64x128xf32, #tpu.memory_space<vmem>>) dst(%dma_wait3A_137 : memref<10240x128xf32, #tpu.memory_space<vmem_shared>>)
        %add3A_138 = arith.constant 1 : i32
        %add3A_139 = arith.addi %mul3A_59, %add3A_138 : i32
        %add3A_140 = arith.constant 3 : i32
        %add3A_141 = arith.addi %add3A_139, %add3A_140 : i32
        %mul3A_142 = arith.constant 64 : i32
        %mul3A_143 = arith.muli %add3A_141, %mul3A_142 : i32
        %dma_start3A_144 = tpu.memref_slice %arg8[%mul3A_143] : memref<10176xi32, #tpu.memory_space<vmem>> -> memref<64xi32, #tpu.memory_space<vmem>>
        %dma_start3A_145 = arith.constant 0 : i32
        %dma_start3A_146 = arith.constant 0 : i32
        %dma_start3A_147 = tpu.memref_slice %arg2[%dma_start3A_145, %dma_start3A_146] : memref<10240x128xf32, #tpu.memory_space<hbm>> -> memref<10240x128xf32, #tpu.memory_space<hbm>>
        tpu.enqueue_indirect_dma source(%dma_start3A_147 : memref<10240x128xf32, #tpu.memory_space<hbm>>) target(%arg11 : memref<64x128xf32, #tpu.memory_space<vmem>>) offsets(%dma_start3A_144 : memref<64xi32, #tpu.memory_space<vmem>>) semaphore(%arg14 : memref<!tpu.dma_semaphore, #tpu.memory_space<semaphore_mem>>)
      } else {
      }
      %add3A_125 = arith.constant 2 : i32
      %add3A_126 = arith.addi %mul3A_59, %add3A_125 : i32
      %add3A_127 = arith.constant 3 : i32
      %add3A_128 = arith.addi %add3A_126, %add3A_127 : i32
      %lt3A_129 = arith.constant 159 : i32
      %lt3A_130 = arith.cmpi slt, %add3A_128, %lt3A_129 : i32
      %convert_element_type3A_131 = arith.extui %lt3A_130 : i1 to i32
      %cond3A_132 = arith.constant 0 : i32
      %cond3A_133 = arith.cmpi ne, %convert_element_type3A_131, %cond3A_132 : i32
      scf.if %cond3A_133 {
        %dma_wait3A_134 = tpu.memref_slice %arg9[%mul3A_103] : memref<10176xi32, #tpu.memory_space<vmem>> -> memref<64xi32, #tpu.memory_space<vmem>>
        %dma_wait3A_135 = arith.constant 0 : i32
        %dma_wait3A_136 = arith.constant 0 : i32
        %dma_wait3A_137 = tpu.memref_slice %arg7[%dma_wait3A_135, %dma_wait3A_136] : memref<10240x128xf32, #tpu.memory_space<vmem_shared>> -> memref<10240x128xf32, #tpu.memory_space<vmem_shared>>
        tpu.wait_indirect_dma semaphore(%arg18 : memref<!tpu.dma_semaphore, #tpu.memory_space<semaphore_mem>>) src(%arg12 : memref<64x128xf32, #tpu.memory_space<vmem>>) dst(%dma_wait3A_137 : memref<10240x128xf32, #tpu.memory_space<vmem_shared>>)
        %add3A_138 = arith.constant 2 : i32
        %add3A_139 = arith.addi %mul3A_59, %add3A_138 : i32
        %add3A_140 = arith.constant 3 : i32
        %add3A_141 = arith.addi %add3A_139, %add3A_140 : i32
        %mul3A_142 = arith.constant 64 : i32
        %mul3A_143 = arith.muli %add3A_141, %mul3A_142 : i32
        %dma_start3A_144 = tpu.memref_slice %arg8[%mul3A_143] : memref<10176xi32, #tpu.memory_space<vmem>> -> memref<64xi32, #tpu.memory_space<vmem>>
        %dma_start3A_145 = arith.constant 0 : i32
        %dma_start3A_146 = arith.constant 0 : i32
        %dma_start3A_147 = tpu.memref_slice %arg2[%dma_start3A_145, %dma_start3A_146] : memref<10240x128xf32, #tpu.memory_space<hbm>> -> memref<10240x128xf32, #tpu.memory_space<hbm>>
        tpu.enqueue_indirect_dma source(%dma_start3A_147 : memref<10240x128xf32, #tpu.memory_space<hbm>>) target(%arg12 : memref<64x128xf32, #tpu.memory_space<vmem>>) offsets(%dma_start3A_144 : memref<64xi32, #tpu.memory_space<vmem>>) semaphore(%arg15 : memref<!tpu.dma_semaphore, #tpu.memory_space<semaphore_mem>>)
      } else {
      }
    }
    %scan3A_27 = arith.constant 53 : i32
    %dma_wait3A = arith.constant 9984 : i32
    %dma_wait3A_28 = tpu.memref_slice %arg9[%dma_wait3A] : memref<10176xi32, #tpu.memory_space<vmem>> -> memref<64xi32, #tpu.memory_space<vmem>>
    %dma_wait3A_29 = arith.constant 0 : i32
    %dma_wait3A_30 = arith.constant 0 : i32
    %dma_wait3A_31 = tpu.memref_slice %arg7[%dma_wait3A_29, %dma_wait3A_30] : memref<10240x128xf32, #tpu.memory_space<vmem_shared>> -> memref<10240x128xf32, #tpu.memory_space<vmem_shared>>
    tpu.wait_indirect_dma semaphore(%arg16 : memref<!tpu.dma_semaphore, #tpu.memory_space<semaphore_mem>>) src(%arg10 : memref<64x128xf32, #tpu.memory_space<vmem>>) dst(%dma_wait3A_31 : memref<10240x128xf32, #tpu.memory_space<vmem_shared>>)
    %dma_wait3A_32 = arith.constant 10048 : i32
    %dma_wait3A_33 = tpu.memref_slice %arg9[%dma_wait3A_32] : memref<10176xi32, #tpu.memory_space<vmem>> -> memref<64xi32, #tpu.memory_space<vmem>>
    %dma_wait3A_34 = arith.constant 0 : i32
    %dma_wait3A_35 = arith.constant 0 : i32
    %dma_wait3A_36 = tpu.memref_slice %arg7[%dma_wait3A_34, %dma_wait3A_35] : memref<10240x128xf32, #tpu.memory_space<vmem_shared>> -> memref<10240x128xf32, #tpu.memory_space<vmem_shared>>
    tpu.wait_indirect_dma semaphore(%arg17 : memref<!tpu.dma_semaphore, #tpu.memory_space<semaphore_mem>>) src(%arg11 : memref<64x128xf32, #tpu.memory_space<vmem>>) dst(%dma_wait3A_36 : memref<10240x128xf32, #tpu.memory_space<vmem_shared>>)
    %dma_wait3A_37 = arith.constant 10112 : i32
    %dma_wait3A_38 = tpu.memref_slice %arg9[%dma_wait3A_37] : memref<10176xi32, #tpu.memory_space<vmem>> -> memref<64xi32, #tpu.memory_space<vmem>>
    %dma_wait3A_39 = arith.constant 0 : i32
    %dma_wait3A_40 = arith.constant 0 : i32
    %dma_wait3A_41 = tpu.memref_slice %arg7[%dma_wait3A_39, %dma_wait3A_40] : memref<10240x128xf32, #tpu.memory_space<vmem_shared>> -> memref<10240x128xf32, #tpu.memory_space<vmem_shared>>
    tpu.wait_indirect_dma semaphore(%arg18 : memref<!tpu.dma_semaphore, #tpu.memory_space<semaphore_mem>>) src(%arg12 : memref<64x128xf32, #tpu.memory_space<vmem>>) dst(%dma_wait3A_41 : memref<10240x128xf32, #tpu.memory_space<vmem_shared>>)
    %barrier3A_42 = arith.constant 0 : index
    tpu.barrier barrier_id(%barrier3A_42)
    %eq3A_43 = arith.constant 0 : i32
    %eq3A_44 = arith.cmpi eq, %arg0, %eq3A_43 : i32
    %convert_element_type3A_45 = arith.extui %eq3A_44 : i1 to i32
    %cond3A_46 = arith.constant 0 : i32
    %cond3A_47 = arith.cmpi ne, %convert_element_type3A_45, %cond3A_46 : i32
    scf.if %cond3A_47 {
      "tpu.region"() ({
        %run_scoped3A = tpu.sem_alloc : memref<!tpu.dma_semaphore, #tpu.memory_space<semaphore_mem>>
        %dma_start3A_53 = arith.constant 0 : i32
        %dma_start3A_54 = tpu.memref_slice %arg5[%mul3A_2, %dma_start3A_53] : memref<10240x128xf32, #tpu.memory_space<hbm>> -> memref<640x128xf32, #tpu.memory_space<hbm>>
        %dma_start3A_55 = arith.constant 0 : i32
        %dma_start3A_56 = tpu.memref_slice %arg7[%mul3A_2, %dma_start3A_55] : memref<10240x128xf32, #tpu.memory_space<vmem_shared>> -> memref<640x128xf32, #tpu.memory_space<vmem_shared>>
        tpu.enqueue_dma source(%dma_start3A_56 : memref<640x128xf32, #tpu.memory_space<vmem_shared>>) target(%dma_start3A_54 : memref<640x128xf32, #tpu.memory_space<hbm>>) target_semaphore(%run_scoped3A : memref<!tpu.dma_semaphore, #tpu.memory_space<semaphore_mem>>)
        %dma_wait3A_57 = arith.constant 0 : i32
        %dma_wait3A_58 = tpu.memref_slice %arg5[%mul3A_2, %dma_wait3A_57] : memref<10240x128xf32, #tpu.memory_space<hbm>> -> memref<640x128xf32, #tpu.memory_space<hbm>>
        %dma_wait3A_59 = arith.constant 0 : i32
        %dma_wait3A_60 = tpu.memref_slice %arg7[%mul3A_2, %dma_wait3A_59] : memref<10240x128xf32, #tpu.memory_space<vmem_shared>> -> memref<640x128xf32, #tpu.memory_space<vmem_shared>>
        tpu.wait_dma2 semaphore(%run_scoped3A : memref<!tpu.dma_semaphore, #tpu.memory_space<semaphore_mem>>) src(%dma_wait3A_60 : memref<640x128xf32, #tpu.memory_space<vmem_shared>>) dst(%dma_wait3A_58 : memref<640x128xf32, #tpu.memory_space<hbm>>)
        tpu.yield
      }) : () -> ()
    } else {
    }
    %eq3A_48 = arith.constant 1 : i32
    %eq3A_49 = arith.cmpi eq, %arg0, %eq3A_48 : i32
    %convert_element_type3A_50 = arith.extui %eq3A_49 : i1 to i32
    %cond3A_51 = arith.constant 0 : i32
    %cond3A_52 = arith.cmpi ne, %convert_element_type3A_50, %cond3A_51 : i32
    scf.if %cond3A_52 {
      "tpu.region"() ({
        %run_scoped3A = tpu.sem_alloc : memref<!tpu.dma_semaphore, #tpu.memory_space<semaphore_mem>>
        %dma_start3A_53 = arith.constant 0 : i32
        %dma_start3A_54 = tpu.memref_slice %arg6[%mul3A_2, %dma_start3A_53] : memref<10240x128xf32, #tpu.memory_space<hbm>> -> memref<640x128xf32, #tpu.memory_space<hbm>>
        %dma_start3A_55 = arith.constant 0 : i32
        %dma_start3A_56 = tpu.memref_slice %arg7[%mul3A_2, %dma_start3A_55] : memref<10240x128xf32, #tpu.memory_space<vmem_shared>> -> memref<640x128xf32, #tpu.memory_space<vmem_shared>>
        tpu.enqueue_dma source(%dma_start3A_56 : memref<640x128xf32, #tpu.memory_space<vmem_shared>>) target(%dma_start3A_54 : memref<640x128xf32, #tpu.memory_space<hbm>>) target_semaphore(%run_scoped3A : memref<!tpu.dma_semaphore, #tpu.memory_space<semaphore_mem>>)
        %dma_wait3A_57 = arith.constant 0 : i32
        %dma_wait3A_58 = tpu.memref_slice %arg6[%mul3A_2, %dma_wait3A_57] : memref<10240x128xf32, #tpu.memory_space<hbm>> -> memref<640x128xf32, #tpu.memory_space<hbm>>
        %dma_wait3A_59 = arith.constant 0 : i32
        %dma_wait3A_60 = tpu.memref_slice %arg7[%mul3A_2, %dma_wait3A_59] : memref<10240x128xf32, #tpu.memory_space<vmem_shared>> -> memref<640x128xf32, #tpu.memory_space<vmem_shared>>
        tpu.wait_dma2 semaphore(%run_scoped3A : memref<!tpu.dma_semaphore, #tpu.memory_space<semaphore_mem>>) src(%dma_wait3A_60 : memref<640x128xf32, #tpu.memory_space<vmem_shared>>) dst(%dma_wait3A_58 : memref<640x128xf32, #tpu.memory_space<hbm>>)
        tpu.yield
      }) : () -> ()
    } else {
    }
    return
  }
}

module attributes {stable_mosaic.version = 14 : i64} {
  func.func @_matmul_body(%arg0: i32, %arg1: memref<1000x128xf32, #tpu.memory_space<vmem>>, %arg2: memref<128x128xf32, #tpu.memory_space<vmem>>, %arg3: memref<1000x128xf32, #tpu.memory_space<vmem>>) attributes {dimension_semantics = [#tpu.dimension_semantics<arbitrary>], iteration_bounds = array<i64: 10>, scalar_prefetch = 0 : i64, scratch_operands = 0 : i64, tpu.core_type = #tpu.core_type<tc>, window_params = [{transform_indices = @transform_0, window_bounds = array<i64: 1000, 128>}, {pipeline_mode = #tpu.pipeline_mode<synchronous>, transform_indices = @transform_1, window_bounds = array<i64: 128, 128>}, {transform_indices = @transform_2, window_bounds = array<i64: 1000, 128>}]} {
    %get3A = arith.constant 0 : index
    %get3A_0 = arith.constant 0 : index
    %get3A_1 = vector.load %arg1[%get3A, %get3A_0] : memref<1000x128xf32, #tpu.memory_space<vmem>>, vector<1000x128xf32>
    %get3A_2 = arith.constant 0 : index
    %get3A_3 = arith.constant 0 : index
    %get3A_4 = vector.load %arg2[%get3A_2, %get3A_3] : memref<128x128xf32, #tpu.memory_space<vmem>>, vector<128x128xf32>
    %dot_general3A = arith.constant dense<0.000000e+00> : vector<1000x128xf32>
    %dot_general3A_5 = tpu.matmul %get3A_1, %get3A_4, %dot_general3A {dimension_numbers = #tpu.dot_dimension_numbers<[1], [1], [0], [0], [0, 0, 1, 0], [], []>, transpose_lhs_hint = false} : vector<1000x128xf32>, vector<128x128xf32>, vector<1000x128xf32> -> vector<1000x128xf32>
    %swap3A = arith.constant 0 : index
    %swap3A_6 = arith.constant 0 : index
    %swap3A_7 = vector.load %arg3[%swap3A, %swap3A_6] : memref<1000x128xf32, #tpu.memory_space<vmem>>, vector<1000x128xf32>
    tpu.vector_store %arg3[%swap3A, %swap3A_6], %dot_general3A_5 {strides = array<i32>} : memref<1000x128xf32, #tpu.memory_space<vmem>>, vector<1000x128xf32>,
    return
  }
  func.func @transform_0(%arg0: i32) -> (i32, i32) {
    %c0_i32 = arith.constant 0 : i32
    %c0_i32_0 = arith.constant 0 : i32
    return %arg0, %c0_i32 : i32, i32
  }
  func.func @transform_1(%arg0: i32) -> (i32, i32) {
    %c0_i32 = arith.constant 0 : i32
    %c0_i32_0 = arith.constant 0 : i32
    %c0_i32_1 = arith.constant 0 : i32
    return %c0_i32, %c0_i32_0 : i32, i32
  }
  func.func @transform_2(%arg0: i32) -> (i32, i32) {
    %c0_i32 = arith.constant 0 : i32
    %c0_i32_0 = arith.constant 0 : i32
    return %arg0, %c0_i32 : i32, i32
  }
}

module attributes {stable_mosaic.version = 14 : i64} {
  func.func @_scale_body(%arg0: i32, %arg1: memref<1024x128xf32, #tpu.memory_space<vmem>>, %arg2: memref<8x128xf32, #tpu.memory_space<vmem>>, %arg3: memref<1024x128xf32, #tpu.memory_space<vmem>>) attributes {dimension_semantics = [#tpu.dimension_semantics<arbitrary>], iteration_bounds = array<i64: 10>, scalar_prefetch = 0 : i64, scratch_operands = 0 : i64, tpu.core_type = #tpu.core_type<tc>, window_params = [{transform_indices = @transform_0, window_bounds = array<i64: 1024, 128>}, {transform_indices = @transform_1, window_bounds = array<i64: 8, 128>}, {transform_indices = @transform_2, window_bounds = array<i64: 1024, 128>}]} {
    %get3A = arith.constant 0 : index
    %get3A_0 = arith.constant 0 : index
    %get3A_1 = vector.load %arg2[%get3A, %get3A_0] : memref<8x128xf32, #tpu.memory_space<vmem>>, vector<8x128xf32>
    %iota3A = tpu.iota {dimensions = array<i32: 1>} : vector<1024x8xi32>
    %iota3A_2 = tpu.iota {dimensions = array<i32: 0>} : vector<1024x8xi32>
    %jit3A = arith.constant 128 : i32
    %div3A = vector.broadcast %jit3A : i32 to vector<1024x8xi32>
    %div3A_3 = arith.divsi %iota3A_2, %div3A : vector<1024x8xi32>
    %sign3A = arith.constant 0 : i32
    %sign3A_4 = vector.broadcast %sign3A : i32 to vector<1024x8xi32>
    %sign3A_5 = arith.cmpi sgt, %iota3A_2, %sign3A_4 : vector<1024x8xi32>
    %sign3A_6 = arith.extui %sign3A_5 : vector<1024x8xi1> to vector<1024x8xi32>
    %sign3A_7 = arith.constant 0 : i32
    %sign3A_8 = vector.broadcast %sign3A_7 : i32 to vector<1024x8xi32>
    %sign3A_9 = arith.cmpi slt, %iota3A_2, %sign3A_8 : vector<1024x8xi32>
    %sign3A_10 = arith.extui %sign3A_9 : vector<1024x8xi1> to vector<1024x8xi32>
    %sign3A_11 = arith.subi %sign3A_6, %sign3A_10 : vector<1024x8xi32>
    %sign3A_12 = arith.constant 0 : i32
    %sign3A_13 = arith.cmpi sgt, %jit3A, %sign3A_12 : i32
    %sign3A_14 = arith.extui %sign3A_13 : i1 to i32
    %sign3A_15 = arith.constant 0 : i32
    %sign3A_16 = arith.cmpi slt, %jit3A, %sign3A_15 : i32
    %sign3A_17 = arith.extui %sign3A_16 : i1 to i32
    %sign3A_18 = arith.subi %sign3A_14, %sign3A_17 : i32
    %ne3A = vector.broadcast %sign3A_18 : i32 to vector<1024x8xi32>
    %ne3A_19 = arith.cmpi ne, %sign3A_11, %ne3A : vector<1024x8xi32>
    %rem3A = vector.broadcast %jit3A : i32 to vector<1024x8xi32>
    %rem3A_20 = arith.remsi %iota3A_2, %rem3A : vector<1024x8xi32>
    %ne3A_21 = arith.constant 0 : i32
    %ne3A_22 = vector.broadcast %ne3A_21 : i32 to vector<1024x8xi32>
    %ne3A_23 = arith.cmpi ne, %rem3A_20, %ne3A_22 : vector<1024x8xi32>
    %and3A = arith.andi %ne3A_19, %ne3A_23 : vector<1024x8xi1>
    %sub3A = arith.constant 1 : i32
    %sub3A_24 = vector.broadcast %sub3A : i32 to vector<1024x8xi32>
    %sub3A_25 = arith.subi %div3A_3, %sub3A_24 : vector<1024x8xi32>
    %select_n3A = arith.select %and3A, %sub3A_25, %div3A_3 : vector<1024x8xi1>, vector<1024x8xi32>
    %eq3A = arith.cmpi eq, %iota3A, %select_n3A : vector<1024x8xi32>
    %convert_element_type3A = arith.extui %eq3A : vector<1024x8xi1> to vector<1024x8xi32>
    %convert_element_type3A_26 = arith.sitofp %convert_element_type3A : vector<1024x8xi32> to vector<1024x8xf32>
    %dot_general3A = arith.constant dense<0.000000e+00> : vector<1024x128xf32>
    %dot_general3A_27 = tpu.matmul %convert_element_type3A_26, %get3A_1, %dot_general3A {dimension_numbers = #tpu.dot_dimension_numbers<[1], [0], [0], [1], [0, 0, 1, 1], [], []>, precision = #tpu.contract_precision<fp32>, transpose_lhs_hint = false} : vector<1024x8xf32>, vector<8x128xf32>, vector<1024x128xf32> -> vector<1024x128xf32>
    %iota3A_28 = tpu.iota {dimensions = array<i32: 0>} : vector<1024x128xi32>
    %iota3A_29 = tpu.iota {dimensions = array<i32: 1>} : vector<1024x128xi32>
    %jit3A_30 = arith.constant 128 : i32
    %eq3A_31 = arith.constant 0 : i32
    %eq3A_32 = arith.cmpi eq, %jit3A_30, %eq3A_31 : i32
    %jit3A_33 = arith.constant 1 : i32
    %select_n3A_34 = arith.select %eq3A_32, %jit3A_33, %jit3A_30 : i32
    %rem3A_35 = vector.broadcast %select_n3A_34 : i32 to vector<1024x128xi32>
    %rem3A_36 = arith.remsi %iota3A_28, %rem3A_35 : vector<1024x128xi32>
    %ne3A_37 = arith.constant 0 : i32
    %ne3A_38 = vector.broadcast %ne3A_37 : i32 to vector<1024x128xi32>
    %ne3A_39 = arith.cmpi ne, %rem3A_36, %ne3A_38 : vector<1024x128xi32>
    %lt3A = arith.constant 0 : i32
    %lt3A_40 = vector.broadcast %lt3A : i32 to vector<1024x128xi32>
    %lt3A_41 = arith.cmpi slt, %rem3A_36, %lt3A_40 : vector<1024x128xi32>
    %lt3A_42 = arith.constant 0 : i32
    %lt3A_43 = arith.cmpi slt, %select_n3A_34, %lt3A_42 : i32
    %ne3A_44 = vector.broadcast %lt3A_43 : i1 to vector<1024x128xi1>
    %ne3A_45 = vector.broadcast %ne3A_44 : vector<1024x128xi1> to vector<1024x128xi1>
    %ne3A_46 = arith.xori %lt3A_41, %ne3A_45 : vector<1024x128xi1>
    %and3A_47 = arith.andi %ne3A_46, %ne3A_39 : vector<1024x128xi1>
    %add3A = vector.broadcast %select_n3A_34 : i32 to vector<1024x128xi32>
    %add3A_48 = arith.addi %rem3A_36, %add3A : vector<1024x128xi32>
    %select_n3A_49 = arith.select %and3A_47, %add3A_48, %rem3A_36 : vector<1024x128xi1>, vector<1024x128xi32>
    %eq3A_50 = arith.cmpi eq, %iota3A_29, %select_n3A_49 : vector<1024x128xi32>
    %convert_element_type3A_51 = arith.extui %eq3A_50 : vector<1024x128xi1> to vector<1024x128xi32>
    %convert_element_type3A_52 = arith.sitofp %convert_element_type3A_51 : vector<1024x128xi32> to vector<1024x128xf32>
    %mul3A = arith.mulf %dot_general3A_27, %convert_element_type3A_52 : vector<1024x128xf32>
    %reduce_sum3A = arith.constant dense<0.000000e+00> : vector<1024xf32>
    %reduce_sum3A_53 = vector.multi_reduction <add>, %mul3A, %reduce_sum3A [1] : vector<1024x128xf32> to vector<1024xf32>
    %broadcast_in_dim3A = vector.shape_cast %reduce_sum3A_53 : vector<1024xf32> to vector<1024x1xf32>
    %get3A_54 = arith.constant 0 : index
    %get3A_55 = arith.constant 0 : index
    %get3A_56 = vector.load %arg1[%get3A_54, %get3A_55] : memref<1024x128xf32, #tpu.memory_space<vmem>>, vector<1024x128xf32>
    %mul3A_57 = vector.broadcast %broadcast_in_dim3A : vector<1024x1xf32> to vector<1024x128xf32>
    %mul3A_58 = arith.mulf %get3A_56, %mul3A_57 : vector<1024x128xf32>
    %swap3A = arith.constant 0 : index
    %swap3A_59 = arith.constant 0 : index
    %swap3A_60 = vector.load %arg3[%swap3A, %swap3A_59] : memref<1024x128xf32, #tpu.memory_space<vmem>>, vector<1024x128xf32>
    tpu.vector_store %arg3[%swap3A, %swap3A_59], %mul3A_58 {strides = array<i32>} : memref<1024x128xf32, #tpu.memory_space<vmem>>, vector<1024x128xf32>,
    return
  }
  func.func @transform_0(%arg0: i32) -> (i32, i32) {
    %c0_i32 = arith.constant 0 : i32
    %c0_i32_0 = arith.constant 0 : i32
    return %arg0, %c0_i32 : i32, i32
  }
  func.func @transform_1(%arg0: i32) -> (i32, i32) {
    %c0_i32 = arith.constant 0 : i32
    %c0_i32_0 = arith.constant 0 : i32
    return %arg0, %c0_i32 : i32, i32
  }
  func.func @transform_2(%arg0: i32) -> (i32, i32) {
    %c0_i32 = arith.constant 0 : i32
    %c0_i32_0 = arith.constant 0 : i32
    return %arg0, %c0_i32 : i32, i32
  }
}

module attributes {stable_mosaic.version = 14 : i64} {
  func.func @_combine_body(%arg0: i32, %arg1: memref<1024x128xf32, #tpu.memory_space<vmem>>, %arg2: memref<1024x128xf32, #tpu.memory_space<vmem>>, %arg3: memref<8x128xf32, #tpu.memory_space<vmem>>, %arg4: memref<1x128xf32, #tpu.memory_space<vmem>>, %arg5: memref<1024x128xf32, #tpu.memory_space<vmem>>) attributes {dimension_semantics = [#tpu.dimension_semantics<arbitrary>], iteration_bounds = array<i64: 10>, scalar_prefetch = 0 : i64, scratch_operands = 0 : i64, tpu.core_type = #tpu.core_type<tc>, window_params = [{transform_indices = @transform_0, window_bounds = array<i64: 1024, 128>}, {transform_indices = @transform_1, window_bounds = array<i64: 1024, 128>}, {transform_indices = @transform_2, window_bounds = array<i64: 8, 128>}, {pipeline_mode = #tpu.pipeline_mode<synchronous>, transform_indices = @transform_3, window_bounds = array<i64: 1, 128>}, {transform_indices = @transform_4, window_bounds = array<i64: 1024, 128>}]} {
    %get3A = arith.constant 0 : index
    %get3A_0 = arith.constant 0 : index
    %get3A_1 = vector.load %arg3[%get3A, %get3A_0] : memref<8x128xf32, #tpu.memory_space<vmem>>, vector<8x128xf32>
    %iota3A = tpu.iota {dimensions = array<i32: 1>} : vector<1024x8xi32>
    %iota3A_2 = tpu.iota {dimensions = array<i32: 0>} : vector<1024x8xi32>
    %jit3A = arith.constant 128 : i32
    %div3A = vector.broadcast %jit3A : i32 to vector<1024x8xi32>
    %div3A_3 = arith.divsi %iota3A_2, %div3A : vector<1024x8xi32>
    %sign3A = arith.constant 0 : i32
    %sign3A_4 = vector.broadcast %sign3A : i32 to vector<1024x8xi32>
    %sign3A_5 = arith.cmpi sgt, %iota3A_2, %sign3A_4 : vector<1024x8xi32>
    %sign3A_6 = arith.extui %sign3A_5 : vector<1024x8xi1> to vector<1024x8xi32>
    %sign3A_7 = arith.constant 0 : i32
    %sign3A_8 = vector.broadcast %sign3A_7 : i32 to vector<1024x8xi32>
    %sign3A_9 = arith.cmpi slt, %iota3A_2, %sign3A_8 : vector<1024x8xi32>
    %sign3A_10 = arith.extui %sign3A_9 : vector<1024x8xi1> to vector<1024x8xi32>
    %sign3A_11 = arith.subi %sign3A_6, %sign3A_10 : vector<1024x8xi32>
    %sign3A_12 = arith.constant 0 : i32
    %sign3A_13 = arith.cmpi sgt, %jit3A, %sign3A_12 : i32
    %sign3A_14 = arith.extui %sign3A_13 : i1 to i32
    %sign3A_15 = arith.constant 0 : i32
    %sign3A_16 = arith.cmpi slt, %jit3A, %sign3A_15 : i32
    %sign3A_17 = arith.extui %sign3A_16 : i1 to i32
    %sign3A_18 = arith.subi %sign3A_14, %sign3A_17 : i32
    %ne3A = vector.broadcast %sign3A_18 : i32 to vector<1024x8xi32>
    %ne3A_19 = arith.cmpi ne, %sign3A_11, %ne3A : vector<1024x8xi32>
    %rem3A = vector.broadcast %jit3A : i32 to vector<1024x8xi32>
    %rem3A_20 = arith.remsi %iota3A_2, %rem3A : vector<1024x8xi32>
    %ne3A_21 = arith.constant 0 : i32
    %ne3A_22 = vector.broadcast %ne3A_21 : i32 to vector<1024x8xi32>
    %ne3A_23 = arith.cmpi ne, %rem3A_20, %ne3A_22 : vector<1024x8xi32>
    %and3A = arith.andi %ne3A_19, %ne3A_23 : vector<1024x8xi1>
    %sub3A = arith.constant 1 : i32
    %sub3A_24 = vector.broadcast %sub3A : i32 to vector<1024x8xi32>
    %sub3A_25 = arith.subi %div3A_3, %sub3A_24 : vector<1024x8xi32>
    %select_n3A = arith.select %and3A, %sub3A_25, %div3A_3 : vector<1024x8xi1>, vector<1024x8xi32>
    %eq3A = arith.cmpi eq, %iota3A, %select_n3A : vector<1024x8xi32>
    %convert_element_type3A = arith.extui %eq3A : vector<1024x8xi1> to vector<1024x8xi32>
    %convert_element_type3A_26 = arith.sitofp %convert_element_type3A : vector<1024x8xi32> to vector<1024x8xf32>
    %dot_general3A = arith.constant dense<0.000000e+00> : vector<1024x128xf32>
    %dot_general3A_27 = tpu.matmul %convert_element_type3A_26, %get3A_1, %dot_general3A {dimension_numbers = #tpu.dot_dimension_numbers<[1], [0], [0], [1], [0, 0, 1, 1], [], []>, precision = #tpu.contract_precision<fp32>, transpose_lhs_hint = false} : vector<1024x8xf32>, vector<8x128xf32>, vector<1024x128xf32> -> vector<1024x128xf32>
    %iota3A_28 = tpu.iota {dimensions = array<i32: 0>} : vector<1024x128xi32>
    %iota3A_29 = tpu.iota {dimensions = array<i32: 1>} : vector<1024x128xi32>
    %jit3A_30 = arith.constant 128 : i32
    %eq3A_31 = arith.constant 0 : i32
    %eq3A_32 = arith.cmpi eq, %jit3A_30, %eq3A_31 : i32
    %jit3A_33 = arith.constant 1 : i32
    %select_n3A_34 = arith.select %eq3A_32, %jit3A_33, %jit3A_30 : i32
    %rem3A_35 = vector.broadcast %select_n3A_34 : i32 to vector<1024x128xi32>
    %rem3A_36 = arith.remsi %iota3A_28, %rem3A_35 : vector<1024x128xi32>
    %ne3A_37 = arith.constant 0 : i32
    %ne3A_38 = vector.broadcast %ne3A_37 : i32 to vector<1024x128xi32>
    %ne3A_39 = arith.cmpi ne, %rem3A_36, %ne3A_38 : vector<1024x128xi32>
    %lt3A = arith.constant 0 : i32
    %lt3A_40 = vector.broadcast %lt3A : i32 to vector<1024x128xi32>
    %lt3A_41 = arith.cmpi slt, %rem3A_36, %lt3A_40 : vector<1024x128xi32>
    %lt3A_42 = arith.constant 0 : i32
    %lt3A_43 = arith.cmpi slt, %select_n3A_34, %lt3A_42 : i32
    %ne3A_44 = vector.broadcast %lt3A_43 : i1 to vector<1024x128xi1>
    %ne3A_45 = vector.broadcast %ne3A_44 : vector<1024x128xi1> to vector<1024x128xi1>
    %ne3A_46 = arith.xori %lt3A_41, %ne3A_45 : vector<1024x128xi1>
    %and3A_47 = arith.andi %ne3A_46, %ne3A_39 : vector<1024x128xi1>
    %add3A = vector.broadcast %select_n3A_34 : i32 to vector<1024x128xi32>
    %add3A_48 = arith.addi %rem3A_36, %add3A : vector<1024x128xi32>
    %select_n3A_49 = arith.select %and3A_47, %add3A_48, %rem3A_36 : vector<1024x128xi1>, vector<1024x128xi32>
    %eq3A_50 = arith.cmpi eq, %iota3A_29, %select_n3A_49 : vector<1024x128xi32>
    %convert_element_type3A_51 = arith.extui %eq3A_50 : vector<1024x128xi1> to vector<1024x128xi32>
    %convert_element_type3A_52 = arith.sitofp %convert_element_type3A_51 : vector<1024x128xi32> to vector<1024x128xf32>
    %mul3A = arith.mulf %dot_general3A_27, %convert_element_type3A_52 : vector<1024x128xf32>
    %reduce_sum3A = arith.constant dense<0.000000e+00> : vector<1024xf32>
    %reduce_sum3A_53 = vector.multi_reduction <add>, %mul3A, %reduce_sum3A [1] : vector<1024x128xf32> to vector<1024xf32>
    %broadcast_in_dim3A = vector.shape_cast %reduce_sum3A_53 : vector<1024xf32> to vector<1024x1xf32>
    %get3A_54 = arith.constant 0 : index
    %get3A_55 = arith.constant 0 : index
    %get3A_56 = vector.load %arg1[%get3A_54, %get3A_55] : memref<1024x128xf32, #tpu.memory_space<vmem>>, vector<1024x128xf32>
    %get3A_57 = arith.constant 0 : index
    %get3A_58 = arith.constant 0 : index
    %get3A_59 = vector.load %arg2[%get3A_57, %get3A_58] : memref<1024x128xf32, #tpu.memory_space<vmem>>, vector<1024x128xf32>
    %add3A_60 = arith.addf %get3A_56, %get3A_59 : vector<1024x128xf32>
    %mul3A_61 = vector.broadcast %broadcast_in_dim3A : vector<1024x1xf32> to vector<1024x128xf32>
    %mul3A_62 = arith.mulf %add3A_60, %mul3A_61 : vector<1024x128xf32>
    %get3A_63 = arith.constant 0 : index
    %get3A_64 = arith.constant 0 : index
    %get3A_65 = vector.load %arg4[%get3A_63, %get3A_64] : memref<1x128xf32, #tpu.memory_space<vmem>>, vector<1x128xf32>
    %add3A_66 = vector.broadcast %get3A_65 : vector<1x128xf32> to vector<1024x128xf32>
    %add3A_67 = arith.addf %mul3A_62, %add3A_66 : vector<1024x128xf32>
    %swap3A = arith.constant 0 : index
    %swap3A_68 = arith.constant 0 : index
    %swap3A_69 = vector.load %arg5[%swap3A, %swap3A_68] : memref<1024x128xf32, #tpu.memory_space<vmem>>, vector<1024x128xf32>
    tpu.vector_store %arg5[%swap3A, %swap3A_68], %add3A_67 {strides = array<i32>} : memref<1024x128xf32, #tpu.memory_space<vmem>>, vector<1024x128xf32>,
    return
  }
  func.func @transform_0(%arg0: i32) -> (i32, i32) {
    %c0_i32 = arith.constant 0 : i32
    %c0_i32_0 = arith.constant 0 : i32
    return %arg0, %c0_i32 : i32, i32
  }
  func.func @transform_1(%arg0: i32) -> (i32, i32) {
    %c0_i32 = arith.constant 0 : i32
    %c0_i32_0 = arith.constant 0 : i32
    return %arg0, %c0_i32 : i32, i32
  }
  func.func @transform_2(%arg0: i32) -> (i32, i32) {
    %c0_i32 = arith.constant 0 : i32
    %c0_i32_0 = arith.constant 0 : i32
    return %arg0, %c0_i32 : i32, i32
  }
  func.func @transform_3(%arg0: i32) -> (i32, i32) {
    %c0_i32 = arith.constant 0 : i32
    %c0_i32_0 = arith.constant 0 : i32
    %c0_i32_1 = arith.constant 0 : i32
    return %c0_i32, %c0_i32_0 : i32, i32
  }
  func.func @transform_4(%arg0: i32) -> (i32, i32) {
    %c0_i32 = arith.constant 0 : i32
    %c0_i32_0 = arith.constant 0 : i32
    return %arg0, %c0_i32 : i32, i32
  }
}

</mosaic_0001>

<sc_bundles>
// kernel: kernel.10.cloned.1.call-start
scs
__scs_entry_jumppad:
0x0: {  	(pc) =	sbr.rel $0x88, $3  }
0x1: {  	(tag) =	ssettag $0x0;
	lr =	simm.s32 $0x1  }
0x2: {  	[smem:$0x3F9D] =	sst lr;
	_ =	strace $0xD0000000  }
0x3: {  	_ = 	snop  }
0x4: {  	_ = 	snop  }
0x5: {  	_ = 	snop  }
0x6: {  	_ = 	snop  }
0x7: {  	_ = 	snop  }
__scs_overlays_trampoline_lowered:
0x8: {  	[smem:$0x3FAC] =	sst s0  }
0x9: {  	[smem:$0x3FAD] =	sst s1  }
0xa: {  	[smem:$0x3FAE] =	sst s2  }
0xb: {  	[smem:$0x3FAF] =	sst s3  }
0xc: {  	[smem:$0x3FB0] =	sst s4  }
0xd: {  	[smem:$0x3FB1] =	sst s5  }
0xe: {  	[smem:$0x3FB2] =	sst s6  }
0xf: {  	[smem:$0x3FB3] =	sst s7  }
0x10: {  	[smem:$0x3FB4] =	sst s8  }
0x11: {  	[smem:$0x3FB5] =	sst s9;
	s0 =	simm.s32 @!p0 $0x0  }
0x12: {  	s1 =	sld [smem:$0x3F9B];
	s0 =	simm.s32 @p0 $0x1  }
0x13: {  	[smem:$0x3FB6] =	sst s0;
	s0 =	simm.s32 @!p1 $0x0  }
0x14: {  	s2 =	sld [smem:$0x3F9A];
	s0 =	simm.s32 @p1 $0x1  }
0x15: {  	[smem:$0x3FB7] =	sst s0;
	s0 =	simm.s32 @!p2 $0x0  }
0x16: {  	s3 =	sld [smem:$0x3FDB];
	s0 =	simm.s32 @p2 $0x1  }
0x17: {  	s4 =	simm.s32 $0x1BF5;
	[smem:$0x3FB9] =	sst s0  }
0x18: {  	s0 =	sld [smem:$0x3F9C];
	_ =	swait.ge [sflag:s4], $0x0  }
0x19: {  	s7 =	sld [smem:$0x3F9D]  }
0x1a: {  	s8 =	sadd.s32 $0xFFFFE003, lr  }
0x1b: {  	s9 =	sadd.s32 $0xFFFFFEF7, lr;
	s5 =	simm.s32 $0xFFFFFFFF;
	p2 =	slt.u32 s8, $0xFFFFF086  }
0x1c: {  	p1 =	slt.u32 s9, $0xF7A;
	s5 =	simm.s32 @!p2 $0x0  }
0x1d: {  	s5 =	simm.s32 @p1 $0x1;
	p0 =	seq.s32 s7, s2  }
0x1e: {  	s7 =	smul.u32 @!p0 $0xF7A, s2;
	p2 =	seq.s32 @!p0 s5, $0x0  }
0x1f: {  	s9 =	smul.u32 $0xF7A, s1;
	s8 =	simm.s32 @!p0 $0x1BF5;
	p2 =	por !p2, p0  }
0x20: {  	[sflag:s8] =	ssyncset.s32 @!p0 $0xFFFFF086;
	s6 =	sadd.s32 @!p0 s3, s7;
	s7 =	simm.s32 @!p0 $0x108  }
0x21: {  	s3 =	sadd.s32 s3, s9;
	s6 =	sadd.s32 @!p0 $0x88, s6;
	s7 =	simm.s32 @p2 $0x1082  }
0x22: {  	[simem:s7], [sflag:s8] =	dma.local @!p0 [hbm:s6], $0xF7A  }
0x23: {  	s9 =	sor.u32 $0xD0000000, s2;
	s6 =	simm.s32 $0x108;
	_ =	swait.ge @!p0 [sflag:s8], $0x0  }
0x24: {  	s3 =	sadd.s32 $0x88, s3;
	s6 =	simm.s32 @!p1 $0x1082;
	[sflag:s4] =	ssyncset.s32 $0xFFFFF086  }
0x25: {  	[simem:s6], [sflag:s4] =	dma.local [hbm:s3], $0xF7A  }
0x26: {  	[smem:$0x3F9D] =	sst s1;
	(tag) =	ssettag s2;
	_ =	strace s9  }
0x27: {  	s1 =	sld [smem:$0x3FAD]  }
0x28: {  	s2 =	sld [smem:$0x3FAE]  }
0x29: {  	s4 =	sld [smem:$0x3FB0]  }
0x2a: {  	p0 =	seq.s32 s5, $0x0;
	s5 =	sld [smem:$0x3FB1]  }
0x2b: {  	s6 =	sld [smem:$0x3FB2]  }
0x2c: {  	s7 =	sld [smem:$0x3FB3]  }
0x2d: {  	s3 =	simm.s32 $0x108;
	s8 =	sld [smem:$0x3FB4]  }
0x2e: {  	s3 =	simm.s32 @!p0 $0x1082;
	s9 =	sld [smem:$0x3FB5]  }
0x2f: {  	lr =	sadd.s32 s0, s3;
	s0 =	sld [smem:$0x3FAC]  }
0x30: {  	s3 =	sld [smem:$0x3FAF]  }
0x31: {  	[smem:$0x3FB8] =	sst s10  }
0x32: {  	s10 =	sld [smem:$0x3FB6];
	_ =	sdelay $0x3  }
0x33: {  	p0 =	seq.s32 s10, $0x1;
	s10 =	sld [smem:$0x3FB8];
	_ =	sdelay $0x3  }
0x34: {  	[smem:$0x3FB8] =	sst s10  }
0x35: {  	s10 =	sld [smem:$0x3FB7];
	_ =	sdelay $0x3  }
0x36: {  	p1 =	seq.s32 s10, $0x1;
	s10 =	sld [smem:$0x3FB8];
	_ =	sdelay $0x3  }
0x37: {  	[smem:$0x3FB8] =	sst s10  }
0x38: {  	s10 =	sld [smem:$0x3FB9]  }
0x39: {  	_ = 	snop;
	(pc) =	sbr.ind lr, $3  }
0x3a: {  	_ = 	snop  }
0x3b: {  	_ = 	snop  }
0x3c: {  	p2 =	seq.s32 s10, $0x1;
	s10 =	sld [smem:$0x3FB8]  }
0x3d: {  	_ =	shalt  }
0x3e: {  	_ =	shalt  }
0x3f: {  	_ =	shalt  }
0x40: {  	_ =	shalt  }
0x41: {  	_ =	shalt  }
0x42: {  	_ =	shalt  }
0x43: {  	_ =	shalt  }
0x44: {  	_ =	shalt  }
0x45: {  	_ =	shalt  }
0x46: {  	_ =	shalt  }
0x47: {  	_ =	shalt  }
0x48: {  	_ =	shalt  }
0x49: {  	_ =	shalt  }
0x4a: {  	_ =	shalt  }
0x4b: {  	_ =	shalt  }
0x4c: {  	_ =	shalt  }
0x4d: {  	_ =	shalt  }
0x4e: {  	_ =	shalt  }
0x4f: {  	_ =	shalt  }
0x50: {  	_ =	shalt  }
0x51: {  	_ =	shalt  }
0x52: {  	_ =	shalt  }
0x53: {  	_ =	shalt  }
0x54: {  	_ =	shalt  }
0x55: {  	_ =	shalt  }
0x56: {  	_ =	shalt  }
0x57: {  	_ =	shalt  }
0x58: {  	_ =	shalt  }
0x59: {  	_ =	shalt  }
0x5a: {  	_ =	shalt  }
0x5b: {  	_ =	shalt  }
0x5c: {  	_ =	shalt  }
0x5d: {  	_ =	shalt  }
0x5e: {  	_ =	shalt  }
0x5f: {  	_ =	shalt  }
0x60: {  	_ =	shalt  }
0x61: {  	_ =	shalt  }
0x62: {  	_ =	shalt  }
0x63: {  	_ =	shalt  }
0x64: {  	_ =	shalt  }
0x65: {  	_ =	shalt  }
0x66: {  	_ =	shalt  }
0x67: {  	_ =	shalt  }
0x68: {  	_ =	shalt  }
0x69: {  	_ =	shalt  }
0x6a: {  	_ =	shalt  }
0x6b: {  	_ =	shalt  }
0x6c: {  	_ =	shalt  }
0x6d: {  	_ =	shalt  }
0x6e: {  	_ =	shalt  }
0x6f: {  	_ =	shalt  }
0x70: {  	_ =	shalt  }
0x71: {  	_ =	shalt  }
0x72: {  	_ =	shalt  }
0x73: {  	_ =	shalt  }
0x74: {  	_ =	shalt  }
0x75: {  	_ =	shalt  }
0x76: {  	_ =	shalt  }
0x77: {  	_ =	shalt  }
0x78: {  	_ =	shalt  }
0x79: {  	_ =	shalt  }
0x7a: {  	_ =	shalt  }
0x7b: {  	_ =	shalt  }
0x7c: {  	_ =	shalt  }
0x7d: {  	_ =	shalt  }
0x7e: {  	_ =	shalt  }
0x7f: {  	_ =	shalt  }
0x80: {  	_ =	shalt  }
0x81: {  	_ =	shalt  }
0x82: {  	_ =	shalt  }
0x83: {  	_ =	shalt  }
0x84: {  	_ =	shalt  }
0x85: {  	_ =	shalt  }
0x86: {  	_ =	shalt  }
0x87: {  	_ =	shalt  }
.Lfunc_end0:
.L_simem_size_0:
called_computation.1_lowered:
.L_overlay_start_0:
0x88: {  	s2 =	sld [smem:$0x3FD9]  }
0x89: {  	s3 =	sld [smem:$0x3FFE];
	_ =	sdelay $0x1  }
0x8a: {  	s1 =	srdreg.scid  }
0x8b: {  	s0 =	sand.u32 $0x1, s1  }
0x8c: {  	s16 =	sshll.u32 s0, $0xA;
	s2 =	sadd.s32 s3, s2  }
0x8d: {  	s2 =	sadd.s32 s2, s16  }
0x8e: {  	[smem:$0x3FC4] =	sst s2  }
0x8f: {  	_ = 	snop  }
0x90: {  	(tm) =	ssettm $0x1  }
0x91: {  	s17 =	sld [smem:$0x3FFB];
	_ =	sdelay $0x3  }
0x92: {  	_ =	strace s17  }
0x93: {  	s2 =	sld [smem:$0x3FFC];
	_ =	sdelay $0x3  }
0x94: {  	_ =	strace s2  }
0x95: {  	s2 =	sld [smem:$0x3FFD];
	_ =	sdelay $0x3  }
0x96: {  	_ =	strace s2  }
0x97: {  	_ =	strace $0x8FFFFFFF  }
0x98: {  	s18 =	sld [smem:$0x3FDB];
	_ =	sdelay $0x1  }
0x99: {  	s19 =	simm.s32 $_scs_section_size  }
0x9a: {  	s4 =	simm.s32 $_size__tile_overlayer_lowered;
	s5 =	simm.s32 $_tile_overlayer_lowered  }
0x9b: {  	s22 =	simm.s32 $0x1BFF;
	s21 =	sshll.u32 s5, $0x1;
	s2 =	sadd.s32 s19, s18  }
0x9c: {  	s6 =	simm.s32 $0x0;
	s20 =	sshll.u32 s4, $0x1;
	s4 =	sadd.s32 s21, s2  }
0x9d: {  	[timem:s6], [sflag:s22] =	dma.local [hbm:s4], s20  }
0x9e: {  	_ =	swait.ge [sflag:s22], s20  }
0x9f: {  	s3 =	ssub.s32 $0x0, s20;
	[sflag:s22] =	ssyncset.done $0x0  }
0xa0: {  	[sflag:s22] =	ssyncadd.s32 s3;
	_ =	sdelay $0x1  }
0xa1: {  	s23 =	simm.s32 $0x1B8B  }
0xa2: {  	_ =	swait.ge [sflag:s23], $0x1  }
0xa3: {  	[sflag:s23] =	ssyncset.done $0x0  }
0xa4: {  	s25 =	simm.s32 $0x1B8E;
	s24 =	sld [smem:$0x3FFE];
	[sflag:s23] =	ssyncadd.s32 $0xFFFFFFFF  }
0xa5: {  	s26 =	simm.s32 $execute0_lowered;
	[smem:$0x3FD2] =	sst s25  }
0xa6: {  	s4 =	sshll.u32 s26, $0x1;
	_ =	strace $0x80000049;
	[dreg:$0x1] =	wrdreg $0xFFFFFFFF  }
0xa7: {  	s28 =	simm.s32 $_size_execute0_lowered;
	s2 =	sadd.s32 s2, s4;
	[dreg:$0x0] =	wrdreg $0x0  }
0xa8: {  	s4 =	sshll.u32 s28, $0x1;
	[dreg:$0x2] =	wrdreg s2  }
0xa9: {  	[dreg:$0x3] =	wrdreg s4  }
0xaa: {  	[dreg:$0x4] =	wrdreg $0xC0  }
0xab: {  	_ =	task [dreg:s6], $0x5FFFF  }
0xac: {  	[dreg:$0x1] =	wrdreg $0xFFFFFFFF  }
0xad: {  	[dreg:$0x0] =	wrdreg $0x60  }
0xae: {  	[dreg:$0x2] =	wrdreg s24  }
0xaf: {  	[dreg:$0x3] =	wrdreg $0x0  }
0xb0: {  	[dreg:$0x4] =	wrdreg $0x9  }
0xb1: {  	_ =	task.clear_ibuf [dreg:s6], $0x5FFFF;
	_ =	strace $0x90000049  }
0xb2: {  	s29 =	simm.s32 $0x9;
	_ =	strace $0x8000004B  }
0xb3: {  	_ =	swait.ge [sflag:s29], $0x1  }
0xb4: {  	[sflag:s29] =	ssyncadd.s32 $0xFFFFFFFF  }
0xb5: {  	_ =	strace $0x9000004B  }
0xb6: {  	_ =	sfence  }
0xb7: {  	s30 =	sld [smem:$0x0];
	_ =	sdelay $0x2  }
0xb8: {  	s31 =	sshll.u32 s1, $0xD;
	s1 =	sshrl.u32 s1, $0x2  }
0xb9: {  	s3 =	sand.u32 $0x4000, s31;
	s1 =	sadd.s32 s1, s30  }
0xba: {  	s0 =	sor.u32 s3, s0;
	s1 =	sshll.u32 s1, $0x11  }
0xbb: {  	s0 =	sor.u32 s1, s0  }
0xbc: {  	s0 =	sadd.s32 $0x8F2B, s0  }
0xbd: {  	[sflag:s0] =	ssyncadd.remote.s32 $0x1  }
0xbe: {  	_ =	sfence.sel $0xFFFF  }
0xbf: {  	[dreg:$0x0] =	wrdreg $0xFFFFFFFF;
	(pc) =	sbr.abs _section_cstart, $3  }
0xc0: {  	[dreg:$0x1] =	wrdreg $0xFFFFFFFF  }
0xc1: {  	_ =	task.clear_ibuf [dreg:s6], $0x2FFFF;
	_ =	strace $0x9FFFFFFF  }
0xc2: {  	(tm) =	ssettm $0x7FFFFFFF  }
0xc3: {  	_ =	shalt  }
tec
execute0_lowered:
.L_overlay_start_1:
0x0: {  	(tag) =	ssettag $0x1  }
0x1: {  	s0 =	srdreg.scid;
	s1 =	rddreg [dreg:$0x0]  }
0x2: {  	s9 =	stileid.u32;
	s2 =	rddreg [dreg:$0x1]  }
0x3: {  	s5 =	simm.s32 $0x0;
	s28 =	simm.s32 $0x40;
	s29 =	simm.s32 $0x19000  }
0x4: {  	s31 =	simm.s32 $0x1B000;
	s11 =	simm.s32 $0x18F00;
	s12 =	simm.s32 $0x18F40  }
0x5: {  	s13 =	simm.s32 $0x18F80;
	s14 =	simm.s32 $0x0;
	s0 =	sand.u32 $0x1, s0  }
0x6: {  	s4 =	sshll.u32 s9, $0x7;
	[smem:$0x7FF] =	sst s5;
	s6 =	smul.u32 $0x50000, s9  }
0x7: {  	s24 =	smul.u32 $0x2800, s9;
	s30 =	sshll.u32 s9, $0x6;
	s3 =	sshll.u32 s0, $0x4  }
0x8: {  	s15 =	sand.u32 $0x380, s4;
	s4 =	sadd.s32 $0x16C00, s1;
	s16 =	sshrl.u32 s6, $0x2  }
0x9: {  	_ =	strace $0x8000004A;
	s26 =	sadd.s32 s4, s24;
	s5 =	sadd.s32 s16, s2  }
0xa: {  	s7 =	ssub.s32 $0x2, s0;
	[dreg:$0xc] =	wrdreg s26;
	s18 =	sadd.s32 $0x2000, s5  }
0xb: {  	p0 =	seq.s32 s0, $0x0;
	s19 =	sadd.s32 $0x4000, s5;
	[dreg:$0x3] =	wrdreg s18  }
0xc: {  	s3 =	sor.u32 s9, s3;
	s20 =	sadd.s32 $0x6000, s5;
	[dreg:$0x4] =	wrdreg s19  }
0xd: {  	s17 =	sshrl.u32 s7, $0x1;
	s21 =	sadd.s32 $0x8000, s5;
	[dreg:$0x5] =	wrdreg s20  }
0xe: {  	s9 =	simm.s32 $0x5;
	s22 =	sadd.s32 $0xA000, s5;
	[dreg:$0x6] =	wrdreg s21  }
0xf: {  	s3 =	sshrl.u32 s3, $0x3;
	s23 =	sadd.s32 $0xC000, s5;
	[dreg:$0x7] =	wrdreg s22  }
0x10: {  	s6 =	ssub.s32 s7, s17;
	s8 =	sadd.s32 $0xE000, s5;
	[dreg:$0x8] =	wrdreg s23  }
0x11: {  	s7 =	simm.s32 $0x3;
	s25 =	sadd.s32 $0x10000, s5;
	[dreg:$0x9] =	wrdreg s8  }
0x12: {  	s3 =	smul.u32 $0x14000, s3;
	s10 =	sadd.s32 $0x12000, s5;
	[dreg:$0xa] =	wrdreg s25  }
0x13: {  	s8 =	simm.s32 $0x3EC00;
	[dreg:$0xb] =	wrdreg s10;
	s18 =	smax.u32 s6, $0x1  }
0x14: {  	s20 =	sor.u32 $0x1C07, s30;
	s21 =	sshrl.u32 s5, $0x3;
	s22 =	simm.s32 $0x7  }
0x15: {  	s23 =	simm.s32 $0x80;
	s25 =	simm.s32 $0x14000;
	s6 =	simm.s32 $0x2  }
0x16: {  	s10 =	simm.s32 $0x6;
	s3 =	sor.u32 s15, s3;
	s8 =	simm.s32 @!p0 $0x66C00  }
0x17: {  	p0 =	sne.s32 s0, $0x0;
	s0 =	simm.s32 $0x1D000;
	s3 =	sshrl.u32 s3, $0x3  }
0x18: {  	s3 =	sadd.s32 s3, s1;
	s1 =	sadd.s32 s8, s1;
	s8 =	simm.s32 $0x4  }
0x19: {  	s16 =	sadd.s32 $0xCC00, s3;
	s17 =	sadd.s32 $0x2C00, s3;
	s19 =	sadd.s32 s1, s24  }
0x1a: {  	v0 =	vimm.f32 $0.0e+00;
	s24 =	simm.s32 $0x400;
	s1 =	simm.s32 $0x14080;
	s3 =	simm.s32 $0x1  }
.LBB2_1:
.Ltmp0:
0x1b: {  	(pc) =	sbr.rel @p0 .LBB2_3-.Ltmp0, $1  }
0x1c: {  	_ =	sdelay $0x3  }
.Ltmp1:
0x1d: {  	s15 =	rddreg [dreg:$0xc];
	(pc) =	sbr.rel .LBB2_6-.Ltmp1, $4  }
0x1e: {  	[spmem:s21], [sflag:s20] =	dma.local [hbm:s15], $0x2800  }
0x1f: {  	_ =	swait.ge [sflag:s22], $0x2800  }
0x20: {  	[sflag:s22] =	ssyncset.done $0x0  }
0x21: {  	[sflag:s22] =	ssyncadd.s32 $0xFFFFD800  }
.LBB2_3:
0x22: {  	s26 =	simm.s32 $0x0  }
0x23: {  	s15 =	sshra.s32 s26, $0x2;
	s26 =	sadd.s32 $0x200, s26  }
.LBB2_4:
0x24: {  	p1 =	sne.s32 s26, $0x7E00;
	[tilespmem:s15+$0x19070] =	vst v0  }
0x25: {  	[tilespmem:s15+$0x19000] =	vst v0  }
0x26: {  	[tilespmem:s15+$0x19010] =	vst v0  }
.Ltmp2:
0x27: {  	[tilespmem:s15+$0x19020] =	vst v0;
	(pc) =	sbr.rel @p1 .LBB2_4-.Ltmp2, $4  }
0x28: {  	[tilespmem:s15+$0x19030] =	vst v0  }
0x29: {  	[tilespmem:s15+$0x19040] =	vst v0  }
0x2a: {  	[tilespmem:s15+$0x19050] =	vst v0  }
0x2b: {  	[tilespmem:s15+$0x19060] =	vst v0;
	s15 =	sshra.s32 s26, $0x2;
	s26 =	sadd.s32 $0x200, s26  }
0x2c: {  	[tilespmem:s15+$0x19070] =	vst v0  }
0x2d: {  	[tilespmem:s15+$0x19000] =	vst v0  }
0x2e: {  	[tilespmem:s15+$0x19010] =	vst v0  }
0x2f: {  	[tilespmem:s15+$0x19020] =	vst v0  }
0x30: {  	[tilespmem:s15+$0x19030] =	vst v0  }
0x31: {  	[tilespmem:s15+$0x19040] =	vst v0  }
0x32: {  	[tilespmem:s15+$0x19050] =	vst v0  }
0x33: {  	[tilespmem:s15+$0x19060] =	vst v0  }
0x34: {  	[spmem:s5] =	stream.linear.scatter [tilespmem:s29], [sflag:$0x7], $0x2000, $0x38;
	[tilespmem:$0x1F000] =	vst v63  }
0x35: {  	_ =	swait.ge [sflag:s22], $0x2000  }
0x36: {  	[sflag:s22] =	ssyncset.done $0x0  }
0x37: {  	s30 =	rddreg [dreg:$0x3];
	[sflag:s22] =	ssyncadd.s32 $0xFFFFE000  }
0x38: {  	[spmem:s30] =	stream.linear.scatter [tilespmem:s29], [sflag:$0x7], $0x2000, $0x38;
	[tilespmem:$0x1F000] =	vst v63  }
0x39: {  	_ =	swait.ge [sflag:s22], $0x2000  }
0x3a: {  	[sflag:s22] =	ssyncset.done $0x0  }
0x3b: {  	s26 =	rddreg [dreg:$0x4];
	[sflag:s22] =	ssyncadd.s32 $0xFFFFE000  }
0x3c: {  	[spmem:s26] =	stream.linear.scatter [tilespmem:s29], [sflag:$0x7], $0x2000, $0x38;
	[tilespmem:$0x1F000] =	vst v63  }
0x3d: {  	_ =	swait.ge [sflag:s22], $0x2000  }
0x3e: {  	[sflag:s22] =	ssyncset.done $0x0  }
0x3f: {  	s30 =	rddreg [dreg:$0x5];
	[sflag:s22] =	ssyncadd.s32 $0xFFFFE000  }
0x40: {  	[spmem:s30] =	stream.linear.scatter [tilespmem:s29], [sflag:$0x7], $0x2000, $0x38;
	[tilespmem:$0x1F000] =	vst v63  }
0x41: {  	_ =	swait.ge [sflag:s22], $0x2000  }
0x42: {  	[sflag:s22] =	ssyncset.done $0x0  }
0x43: {  	s26 =	rddreg [dreg:$0x6];
	[sflag:s22] =	ssyncadd.s32 $0xFFFFE000  }
0x44: {  	[spmem:s26] =	stream.linear.scatter [tilespmem:s29], [sflag:$0x7], $0x2000, $0x38;
	[tilespmem:$0x1F000] =	vst v63  }
0x45: {  	_ =	swait.ge [sflag:s22], $0x2000  }
0x46: {  	[sflag:s22] =	ssyncset.done $0x0  }
0x47: {  	s30 =	rddreg [dreg:$0x7];
	[sflag:s22] =	ssyncadd.s32 $0xFFFFE000  }
0x48: {  	[spmem:s30] =	stream.linear.scatter [tilespmem:s29], [sflag:$0x7], $0x2000, $0x38;
	[tilespmem:$0x1F000] =	vst v63  }
0x49: {  	_ =	swait.ge [sflag:s22], $0x2000  }
0x4a: {  	[sflag:s22] =	ssyncset.done $0x0  }
0x4b: {  	s26 =	rddreg [dreg:$0x8];
	[sflag:s22] =	ssyncadd.s32 $0xFFFFE000  }
0x4c: {  	[spmem:s26] =	stream.linear.scatter [tilespmem:s29], [sflag:$0x7], $0x2000, $0x38;
	[tilespmem:$0x1F000] =	vst v63  }
0x4d: {  	_ =	swait.ge [sflag:s22], $0x2000  }
0x4e: {  	[sflag:s22] =	ssyncset.done $0x0  }
0x4f: {  	s30 =	rddreg [dreg:$0x9];
	[sflag:s22] =	ssyncadd.s32 $0xFFFFE000  }
0x50: {  	[spmem:s30] =	stream.linear.scatter [tilespmem:s29], [sflag:$0x7], $0x2000, $0x38;
	[tilespmem:$0x1F000] =	vst v63  }
0x51: {  	_ =	swait.ge [sflag:s22], $0x2000  }
0x52: {  	[sflag:s22] =	ssyncset.done $0x0  }
0x53: {  	s26 =	rddreg [dreg:$0xa];
	[sflag:s22] =	ssyncadd.s32 $0xFFFFE000  }
0x54: {  	[spmem:s26] =	stream.linear.scatter [tilespmem:s29], [sflag:$0x7], $0x2000, $0x38;
	[tilespmem:$0x1F000] =	vst v63  }
0x55: {  	_ =	swait.ge [sflag:s22], $0x2000  }
0x56: {  	[sflag:s22] =	ssyncset.done $0x0  }
0x57: {  	s30 =	rddreg [dreg:$0xb];
	[sflag:s22] =	ssyncadd.s32 $0xFFFFE000  }
0x58: {  	[spmem:s30] =	stream.linear.scatter [tilespmem:s29], [sflag:$0x7], $0x2000, $0x38;
	[tilespmem:$0x1F000] =	vst v63  }
0x59: {  	_ =	swait.ge [sflag:s22], $0x2000  }
0x5a: {  	[sflag:s22] =	ssyncset.done $0x0  }
0x5b: {  	[sflag:s22] =	ssyncadd.s32 $0xFFFFE000  }
.LBB2_6:
0x5c: {  	[tilespmem:s25], [sflag:$0x7] =	stream.strided.gather [hbm4b:s16+s23], $0x2800, s24, s23, $0x38;
	[tilespmem:$0x1F000] =	vst v63  }
0x5d: {  	_ =	swait.ge [sflag:s22], $0x2800  }
0x5e: {  	[sflag:s22] =	ssyncset.done $0x0  }
0x5f: {  	s15 =	simm.s32 $0x16800;
	[sflag:s22] =	ssyncadd.s32 $0xFFFFD800  }
0x60: {  	[tilespmem:s15], [sflag:$0x7] =	stream.strided.gather [hbm4b:s17+s23], $0x2800, s24, s23, $0x38;
	[tilespmem:$0x1F000] =	vst v63  }
0x61: {  	_ =	swait.ge [sflag:s22], $0x2800  }
0x62: {  	[sflag:s22] =	ssyncset.done $0x0  }
0x63: {  	[sflag:s22] =	ssyncadd.s32 $0xFFFFD800  }
0x64: {  	[bflag:$0x0] =	sbarrier.arrive $0xFFFF  }
0x65: {  	[tilespmem:s29], [sflag:$0x1] =	stream.indirect.gather [hbm4b:s4+s28], $0x80, s25, s28, $0xb8;
	[tilespmem:$0x1F000] =	vst v63  }
0x66: {  	s26 =	simm.s32 $0x14040  }
0x67: {  	[tilespmem:s31], [sflag:$0x2] =	stream.indirect.gather [hbm4b:s4+s28], $0x80, s26, s28, $0xb8;
	[tilespmem:$0x1F000] =	vst v63  }
0x68: {  	_ = 	snop  }
0x69: {  	[tilespmem:s0], [sflag:$0x3] =	stream.indirect.gather [hbm4b:s4+s28], $0x80, s1, s28, $0xb8;
	[tilespmem:$0x1F000] =	vst v63  }
0x6a: {  	_ =	swait.ge [sflag:s3], $0x2000  }
0x6b: {  	[sflag:s3] =	ssyncset.done $0x0  }
0x6c: {  	s30 =	simm.s32 $0x16800;
	[sflag:s3] =	ssyncadd.s32 $0xFFFFE000  }
0x6d: {  	[spmem:s2] =	stream.indirect.scatter.add.f32 [tilespmem:s29], [sflag:$0x4], $0x80, s30, s28, $0xb8;
	[tilespmem:$0x1F000] =	vst v63  }
0x6e: {  	_ =	swait.ge [sflag:s6], $0x2000  }
0x6f: {  	[sflag:s6] =	ssyncset.done $0x0  }
0x70: {  	s26 =	simm.s32 $0x16840;
	[sflag:s6] =	ssyncadd.s32 $0xFFFFE000  }
0x71: {  	[spmem:s2] =	stream.indirect.scatter.add.f32 [tilespmem:s31], [sflag:$0x5], $0x80, s26, s28, $0xb8;
	[tilespmem:$0x1F000] =	vst v63  }
0x72: {  	_ =	swait.ge [sflag:s7], $0x2000  }
0x73: {  	[sflag:s7] =	ssyncset.done $0x0  }
0x74: {  	s30 =	simm.s32 $0x16880;
	[sflag:s7] =	ssyncadd.s32 $0xFFFFE000  }
0x75: {  	[spmem:s2] =	stream.indirect.scatter.add.f32 [tilespmem:s0], [sflag:$0x6], $0x80, s30, s28, $0xb8;
	[tilespmem:$0x1F000] =	vst v63  }
0x76: {  	_ =	swait.ge [sflag:s8], $0x2000  }
0x77: {  	[sflag:s8] =	ssyncset.done $0x0  }
0x78: {  	s26 =	simm.s32 $0x140C0;
	[sflag:s8] =	ssyncadd.s32 $0xFFFFE000  }
0x79: {  	[tilespmem:s29], [sflag:$0x1] =	stream.indirect.gather [hbm4b:s4+s28], $0x80, s26, s28, $0xb8;
	[tilespmem:$0x1F000] =	vst v63  }
0x7a: {  	_ =	swait.ge [sflag:s9], $0x2000  }
0x7b: {  	[sflag:s9] =	ssyncset.done $0x0  }
0x7c: {  	s30 =	simm.s32 $0x14100;
	[sflag:s9] =	ssyncadd.s32 $0xFFFFE000  }
0x7d: {  	[tilespmem:s31], [sflag:$0x2] =	stream.indirect.gather [hbm4b:s4+s28], $0x80, s30, s28, $0xb8;
	[tilespmem:$0x1F000] =	vst v63  }
0x7e: {  	_ =	swait.ge [sflag:s10], $0x2000  }
0x7f: {  	[sflag:s10] =	ssyncset.done $0x0  }
0x80: {  	s15 =	simm.s32 $0x300;
	s26 =	simm.s32 $0x14140;
	[sflag:s10] =	ssyncadd.s32 $0xFFFFE000  }
.LBB2_7:
0x81: {  	[tilespmem:s0], [sflag:$0x3] =	stream.indirect.gather [hbm4b:s4+s28], $0x80, s26, s28, $0xb8;
	[tilespmem:$0x1F000] =	vst v63  }
0x82: {  	s26 =	smov.u32 s15  }
0x83: {  	p1 =	sne.s32 s15, $0x9900;
	s15 =	sadd.s32 $0x300, s15;
	_ =	swait.ge [sflag:s3], $0x2000  }
0x84: {  	s26 =	sshra.s32 s26, $0x2;
	[sflag:s3] =	ssyncset.done $0x0  }
0x85: {  	s30 =	sadd.s32 $0x16800, s26;
	[sflag:s3] =	ssyncadd.s32 $0xFFFFE000  }
0x86: {  	[spmem:s2] =	stream.indirect.scatter.add.f32 [tilespmem:s29], [sflag:$0x4], $0x80, s30, s28, $0xb8;
	[tilespmem:$0x1F000] =	vst v63  }
0x87: {  	_ =	swait.ge [sflag:s6], $0x2000  }
0x88: {  	[sflag:s6] =	ssyncset.done $0x0  }
0x89: {  	s30 =	sadd.s32 $0x16840, s26;
	[sflag:s6] =	ssyncadd.s32 $0xFFFFE000  }
0x8a: {  	[spmem:s2] =	stream.indirect.scatter.add.f32 [tilespmem:s31], [sflag:$0x5], $0x80, s30, s28, $0xb8;
	[tilespmem:$0x1F000] =	vst v63  }
0x8b: {  	_ =	swait.ge [sflag:s7], $0x2000  }
0x8c: {  	[sflag:s7] =	ssyncset.done $0x0  }
0x8d: {  	s30 =	sadd.s32 $0x16880, s26;
	[sflag:s7] =	ssyncadd.s32 $0xFFFFE000  }
0x8e: {  	[spmem:s2] =	stream.indirect.scatter.add.f32 [tilespmem:s0], [sflag:$0x6], $0x80, s30, s28, $0xb8;
	[tilespmem:$0x1F000] =	vst v63  }
0x8f: {  	_ =	swait.ge [sflag:s8], $0x2000  }
0x90: {  	[sflag:s8] =	ssyncset.done $0x0  }
0x91: {  	s30 =	sadd.s32 $0x140C0, s26;
	[sflag:s8] =	ssyncadd.s32 $0xFFFFE000  }
0x92: {  	[tilespmem:s29], [sflag:$0x1] =	stream.indirect.gather [hbm4b:s4+s28], $0x80, s30, s28, $0xb8;
	[tilespmem:$0x1F000] =	vst v63  }
0x93: {  	_ =	swait.ge [sflag:s9], $0x2000  }
0x94: {  	[sflag:s9] =	ssyncset.done $0x0  }
.Ltmp3:
0x95: {  	s30 =	sadd.s32 $0x14100, s26;
	[sflag:s9] =	ssyncadd.s32 $0xFFFFE000;
	(pc) =	sbr.rel @p1 .LBB2_7-.Ltmp3, $4  }
0x96: {  	[tilespmem:s31], [sflag:$0x2] =	stream.indirect.gather [hbm4b:s4+s28], $0x80, s30, s28, $0xb8;
	[tilespmem:$0x1F000] =	vst v63  }
0x97: {  	_ =	swait.ge [sflag:s10], $0x2000  }
0x98: {  	[sflag:s10] =	ssyncset.done $0x0  }
0x99: {  	s26 =	sadd.s32 $0x14140, s26;
	[sflag:s10] =	ssyncadd.s32 $0xFFFFE000  }
0x9a: {  	[tilespmem:s0], [sflag:$0x3] =	stream.indirect.gather [hbm4b:s4+s28], $0x80, s26, s28, $0xb8;
	[tilespmem:$0x1F000] =	vst v63  }
0x9b: {  	_ =	swait.ge [sflag:s3], $0x2000  }
0x9c: {  	[sflag:s3] =	ssyncset.done $0x0  }
0x9d: {  	[sflag:s3] =	ssyncadd.s32 $0xFFFFE000  }
0x9e: {  	[spmem:s2] =	stream.indirect.scatter.add.f32 [tilespmem:s29], [sflag:$0x4], $0x80, s11, s28, $0xb8;
	[tilespmem:$0x1F000] =	vst v63  }
0x9f: {  	_ =	swait.ge [sflag:s6], $0x2000  }
0xa0: {  	[sflag:s6] =	ssyncset.done $0x0  }
0xa1: {  	[sflag:s6] =	ssyncadd.s32 $0xFFFFE000  }
0xa2: {  	[spmem:s2] =	stream.indirect.scatter.add.f32 [tilespmem:s31], [sflag:$0x5], $0x80, s12, s28, $0xb8;
	[tilespmem:$0x1F000] =	vst v63  }
0xa3: {  	_ =	swait.ge [sflag:s7], $0x2000  }
0xa4: {  	[sflag:s7] =	ssyncset.done $0x0  }
0xa5: {  	[sflag:s7] =	ssyncadd.s32 $0xFFFFE000  }
0xa6: {  	[spmem:s2] =	stream.indirect.scatter.add.f32 [tilespmem:s0], [sflag:$0x6], $0x80, s13, s28, $0xb8;
	[tilespmem:$0x1F000] =	vst v63  }
0xa7: {  	_ =	swait.ge [sflag:s8], $0x2000  }
0xa8: {  	[sflag:s8] =	ssyncset.done $0x0  }
0xa9: {  	[sflag:s8] =	ssyncadd.s32 $0xFFFFE000  }
0xaa: {  	_ =	swait.ge [sflag:s9], $0x2000  }
0xab: {  	[sflag:s9] =	ssyncset.done $0x0  }
0xac: {  	[sflag:s9] =	ssyncadd.s32 $0xFFFFE000  }
0xad: {  	_ =	swait.ge [sflag:s10], $0x2000  }
0xae: {  	s14 =	sadd.s32 $0x1, s14;
	[sflag:s10] =	ssyncset.done $0x0  }
0xaf: {  	p1 =	sne.s32 s14, s18;
	[sflag:s10] =	ssyncadd.s32 $0xFFFFE000  }
.Ltmp4:
0xb0: {  	[bflag:$0x0] =	sbarrier.arrive $0xFFFF;
	(pc) =	sbr.rel @p1 .LBB2_1-.Ltmp4, $4  }
0xb1: {  	[hbm:s19], [sflag:s20] =	dma.local [spmem:s21], $0x2800  }
0xb2: {  	_ =	swait.ge [sflag:s22], $0x2800  }
0xb3: {  	[sflag:s22] =	ssyncset.done $0x0  }
0xb4: {  	[sflag:s22] =	ssyncadd.s32 $0xFFFFD800  }
0xb5: {  	_ =	sfence.sel $0x180000  }
0xb6: {  	[bflag:$0x0] =	sbarrier.arrive $0xFFFF  }
0xb7: {  	_ =	strace $0x9000004A  }
0xb8: {  	s0 =	stileid.u32;
	[bflag:$0x2] =	sbarrier.arrive $0xFFFF  }
0xb9: {  	p0 =	sne.s32 s0, $0x0;
	s0 =	rddreg [dreg:$0x2]  }
0xba: {  	s0 =	sadd.s32 @!p0 $0x100000, s0  }
0xbb: {  	[sflag:s0] =	ssyncadd.tile.s32 @!p0 $0x1;
	_ =	shalt  }
.Lfunc_end2:
_tile_overlayer_lowered:
.L_overlay_start_2:
0xbc: {  	(tag) =	ssettag $0x2  }
0xbd: {  	s0 =	rddreg [dreg:$0x0];
	s2 =	stileid.u32  }
0xbe: {  	s1 =	rddreg [dreg:$0x1];
	p0 =	sne.s32 s2, $0x0  }
0xbf: {  	s3 =	rddreg [dreg:$0x2];
	[bflag:$0x3] =	sbarrier.arrive $0xFFFF;
	s2 =	simm.s32 @!p0 $0x1C07  }
0xc0: {  	[timem:s3], [sflag:s2] =	dma.local @!p0 [hbm:s0], s1  }
0xc1: {  	s0 =	simm.s32 @!p0 $0x7  }
0xc2: {  	_ =	swait.ge @!p0 [sflag:s0], s1  }
0xc3: {  	s1 =	ssub.s32 @!p0 $0x0, s1;
	[sflag:s0] =	ssyncset.done @!p0 $0x0  }
0xc4: {  	[sflag:s0] =	ssyncadd.s32 @!p0 s1  }
0xc5: {  	[bflag:$0x3] =	sbarrier.arrive $0xFFFF  }
0xc6: {  	_ =	shalt  }

// kernel: kernel.7.cloned.1.call-start
scs
__scs_entry_jumppad:
0x0: {  	(pc) =	sbr.rel $0x88, $3  }
0x1: {  	(tag) =	ssettag $0x0;
	lr =	simm.s32 $0x1  }
0x2: {  	[smem:$0x3F9D] =	sst lr;
	_ =	strace $0xD0000000  }
0x3: {  	_ = 	snop  }
0x4: {  	_ = 	snop  }
0x5: {  	_ = 	snop  }
0x6: {  	_ = 	snop  }
0x7: {  	_ = 	snop  }
__scs_overlays_trampoline_lowered:
0x8: {  	[smem:$0x3FAC] =	sst s0  }
0x9: {  	[smem:$0x3FAD] =	sst s1  }
0xa: {  	[smem:$0x3FAE] =	sst s2  }
0xb: {  	[smem:$0x3FAF] =	sst s3  }
0xc: {  	[smem:$0x3FB0] =	sst s4  }
0xd: {  	[smem:$0x3FB1] =	sst s5  }
0xe: {  	[smem:$0x3FB2] =	sst s6  }
0xf: {  	[smem:$0x3FB3] =	sst s7  }
0x10: {  	[smem:$0x3FB4] =	sst s8  }
0x11: {  	[smem:$0x3FB5] =	sst s9;
	s0 =	simm.s32 @!p0 $0x0  }
0x12: {  	s1 =	sld [smem:$0x3F9B];
	s0 =	simm.s32 @p0 $0x1  }
0x13: {  	[smem:$0x3FB6] =	sst s0;
	s0 =	simm.s32 @!p1 $0x0  }
0x14: {  	s2 =	sld [smem:$0x3F9A];
	s0 =	simm.s32 @p1 $0x1  }
0x15: {  	[smem:$0x3FB7] =	sst s0;
	s0 =	simm.s32 @!p2 $0x0  }
0x16: {  	s3 =	sld [smem:$0x3FDB];
	s0 =	simm.s32 @p2 $0x1  }
0x17: {  	s4 =	simm.s32 $0x1BF5;
	[smem:$0x3FB9] =	sst s0  }
0x18: {  	s0 =	sld [smem:$0x3F9C];
	_ =	swait.ge [sflag:s4], $0x0  }
0x19: {  	s7 =	sld [smem:$0x3F9D]  }
0x1a: {  	s8 =	sadd.s32 $0xFFFFE003, lr  }
0x1b: {  	s9 =	sadd.s32 $0xFFFFFEF7, lr;
	s5 =	simm.s32 $0xFFFFFFFF;
	p2 =	slt.u32 s8, $0xFFFFF086  }
0x1c: {  	p1 =	slt.u32 s9, $0xF7A;
	s5 =	simm.s32 @!p2 $0x0  }
0x1d: {  	s5 =	simm.s32 @p1 $0x1;
	p0 =	seq.s32 s7, s2  }
0x1e: {  	s7 =	smul.u32 @!p0 $0xF7A, s2;
	p2 =	seq.s32 @!p0 s5, $0x0  }
0x1f: {  	s9 =	smul.u32 $0xF7A, s1;
	s8 =	simm.s32 @!p0 $0x1BF5;
	p2 =	por !p2, p0  }
0x20: {  	[sflag:s8] =	ssyncset.s32 @!p0 $0xFFFFF086;
	s6 =	sadd.s32 @!p0 s3, s7;
	s7 =	simm.s32 @!p0 $0x108  }
0x21: {  	s3 =	sadd.s32 s3, s9;
	s6 =	sadd.s32 @!p0 $0x88, s6;
	s7 =	simm.s32 @p2 $0x1082  }
0x22: {  	[simem:s7], [sflag:s8] =	dma.local @!p0 [hbm:s6], $0xF7A  }
0x23: {  	s9 =	sor.u32 $0xD0000000, s2;
	s6 =	simm.s32 $0x108;
	_ =	swait.ge @!p0 [sflag:s8], $0x0  }
0x24: {  	s3 =	sadd.s32 $0x88, s3;
	s6 =	simm.s32 @!p1 $0x1082;
	[sflag:s4] =	ssyncset.s32 $0xFFFFF086  }
0x25: {  	[simem:s6], [sflag:s4] =	dma.local [hbm:s3], $0xF7A  }
0x26: {  	[smem:$0x3F9D] =	sst s1;
	(tag) =	ssettag s2;
	_ =	strace s9  }
0x27: {  	s1 =	sld [smem:$0x3FAD]  }
0x28: {  	s2 =	sld [smem:$0x3FAE]  }
0x29: {  	s4 =	sld [smem:$0x3FB0]  }
0x2a: {  	p0 =	seq.s32 s5, $0x0;
	s5 =	sld [smem:$0x3FB1]  }
0x2b: {  	s6 =	sld [smem:$0x3FB2]  }
0x2c: {  	s7 =	sld [smem:$0x3FB3]  }
0x2d: {  	s3 =	simm.s32 $0x108;
	s8 =	sld [smem:$0x3FB4]  }
0x2e: {  	s3 =	simm.s32 @!p0 $0x1082;
	s9 =	sld [smem:$0x3FB5]  }
0x2f: {  	lr =	sadd.s32 s0, s3;
	s0 =	sld [smem:$0x3FAC]  }
0x30: {  	s3 =	sld [smem:$0x3FAF]  }
0x31: {  	[smem:$0x3FB8] =	sst s10  }
0x32: {  	s10 =	sld [smem:$0x3FB6];
	_ =	sdelay $0x3  }
0x33: {  	p0 =	seq.s32 s10, $0x1;
	s10 =	sld [smem:$0x3FB8];
	_ =	sdelay $0x3  }
0x34: {  	[smem:$0x3FB8] =	sst s10  }
0x35: {  	s10 =	sld [smem:$0x3FB7];
	_ =	sdelay $0x3  }
0x36: {  	p1 =	seq.s32 s10, $0x1;
	s10 =	sld [smem:$0x3FB8];
	_ =	sdelay $0x3  }
0x37: {  	[smem:$0x3FB8] =	sst s10  }
0x38: {  	s10 =	sld [smem:$0x3FB9]  }
0x39: {  	_ = 	snop;
	(pc) =	sbr.ind lr, $3  }
0x3a: {  	_ = 	snop  }
0x3b: {  	_ = 	snop  }
0x3c: {  	p2 =	seq.s32 s10, $0x1;
	s10 =	sld [smem:$0x3FB8]  }
0x3d: {  	_ =	shalt  }
0x3e: {  	_ =	shalt  }
0x3f: {  	_ =	shalt  }
0x40: {  	_ =	shalt  }
0x41: {  	_ =	shalt  }
0x42: {  	_ =	shalt  }
0x43: {  	_ =	shalt  }
0x44: {  	_ =	shalt  }
0x45: {  	_ =	shalt  }
0x46: {  	_ =	shalt  }
0x47: {  	_ =	shalt  }
0x48: {  	_ =	shalt  }
0x49: {  	_ =	shalt  }
0x4a: {  	_ =	shalt  }
0x4b: {  	_ =	shalt  }
0x4c: {  	_ =	shalt  }
0x4d: {  	_ =	shalt  }
0x4e: {  	_ =	shalt  }
0x4f: {  	_ =	shalt  }
0x50: {  	_ =	shalt  }
0x51: {  	_ =	shalt  }
0x52: {  	_ =	shalt  }
0x53: {  	_ =	shalt  }
0x54: {  	_ =	shalt  }
0x55: {  	_ =	shalt  }
0x56: {  	_ =	shalt  }
0x57: {  	_ =	shalt  }
0x58: {  	_ =	shalt  }
0x59: {  	_ =	shalt  }
0x5a: {  	_ =	shalt  }
0x5b: {  	_ =	shalt  }
0x5c: {  	_ =	shalt  }
0x5d: {  	_ =	shalt  }
0x5e: {  	_ =	shalt  }
0x5f: {  	_ =	shalt  }
0x60: {  	_ =	shalt  }
0x61: {  	_ =	shalt  }
0x62: {  	_ =	shalt  }
0x63: {  	_ =	shalt  }
0x64: {  	_ =	shalt  }
0x65: {  	_ =	shalt  }
0x66: {  	_ =	shalt  }
0x67: {  	_ =	shalt  }
0x68: {  	_ =	shalt  }
0x69: {  	_ =	shalt  }
0x6a: {  	_ =	shalt  }
0x6b: {  	_ =	shalt  }
0x6c: {  	_ =	shalt  }
0x6d: {  	_ =	shalt  }
0x6e: {  	_ =	shalt  }
0x6f: {  	_ =	shalt  }
0x70: {  	_ =	shalt  }
0x71: {  	_ =	shalt  }
0x72: {  	_ =	shalt  }
0x73: {  	_ =	shalt  }
0x74: {  	_ =	shalt  }
0x75: {  	_ =	shalt  }
0x76: {  	_ =	shalt  }
0x77: {  	_ =	shalt  }
0x78: {  	_ =	shalt  }
0x79: {  	_ =	shalt  }
0x7a: {  	_ =	shalt  }
0x7b: {  	_ =	shalt  }
0x7c: {  	_ =	shalt  }
0x7d: {  	_ =	shalt  }
0x7e: {  	_ =	shalt  }
0x7f: {  	_ =	shalt  }
0x80: {  	_ =	shalt  }
0x81: {  	_ =	shalt  }
0x82: {  	_ =	shalt  }
0x83: {  	_ =	shalt  }
0x84: {  	_ =	shalt  }
0x85: {  	_ =	shalt  }
0x86: {  	_ =	shalt  }
0x87: {  	_ =	shalt  }
.Lfunc_end0:
.L_simem_size_0:
called_computation_lowered:
.L_overlay_start_0:
0x88: {  	s2 =	sld [smem:$0x3FD9]  }
0x89: {  	s3 =	sld [smem:$0x3FFE];
	_ =	sdelay $0x1  }
0x8a: {  	s1 =	srdreg.scid  }
0x8b: {  	s0 =	sand.u32 $0x1, s1  }
0x8c: {  	s17 =	sshll.u32 s0, $0xA;
	s2 =	sadd.s32 s3, s2  }
0x8d: {  	s2 =	sadd.s32 s2, s17  }
0x8e: {  	[smem:$0x3FC4] =	sst s2  }
0x8f: {  	_ = 	snop  }
0x90: {  	s2 =	sld [smem:$0x3FD0];
	(tm) =	ssettm $0x1  }
0x91: {  	s18 =	sld [smem:$0x3FFB];
	_ =	sdelay $0x3  }
0x92: {  	_ =	strace s18  }
0x93: {  	s3 =	sld [smem:$0x3FFC];
	_ =	sdelay $0x3  }
0x94: {  	_ =	strace s3  }
0x95: {  	s3 =	sld [smem:$0x3FFD];
	_ =	sdelay $0x3  }
0x96: {  	_ =	strace s3  }
0x97: {  	_ =	strace $0x8FFFFFFF  }
0x98: {  	s19 =	sld [smem:$0x3FDB];
	_ =	sdelay $0x1  }
0x99: {  	s4 =	simm.s32 $_scs_section_size  }
0x9a: {  	s5 =	simm.s32 $_size__tile_overlayer_lowered;
	s6 =	simm.s32 $_tile_overlayer_lowered  }
0x9b: {  	s22 =	simm.s32 $0x1BFF;
	s21 =	sshll.u32 s6, $0x1;
	s3 =	sadd.s32 s4, s19  }
0x9c: {  	s7 =	simm.s32 $0x0;
	s20 =	sshll.u32 s5, $0x1;
	s5 =	sadd.s32 s21, s3  }
0x9d: {  	[timem:s7], [sflag:s22] =	dma.local [hbm:s5], s20  }
0x9e: {  	_ =	swait.ge [sflag:s22], s20  }
0x9f: {  	s4 =	ssub.s32 $0x0, s20;
	[sflag:s22] =	ssyncset.done $0x0  }
0xa0: {  	[sflag:s22] =	ssyncadd.s32 s4;
	_ =	sdelay $0x1  }
0xa1: {  	s23 =	simm.s32 $0x1B8B  }
0xa2: {  	_ =	swait.ge [sflag:s23], $0x1  }
0xa3: {  	[sflag:s23] =	ssyncset.done $0x0  }
0xa4: {  	s25 =	simm.s32 $0x1B8E;
	s24 =	sld [smem:$0x3FFE];
	[sflag:s23] =	ssyncadd.s32 $0xFFFFFFFF  }
0xa5: {  	s26 =	simm.s32 $execute0_lowered;
	[smem:$0x3FD2] =	sst s25  }
0xa6: {  	s5 =	sshll.u32 s26, $0x1;
	_ =	strace $0x80000046;
	[dreg:$0x1] =	wrdreg $0xFFFFFFFF  }
0xa7: {  	s28 =	simm.s32 $_size_execute0_lowered;
	s3 =	sadd.s32 s3, s5;
	[dreg:$0x0] =	wrdreg $0x0  }
0xa8: {  	s5 =	sshll.u32 s28, $0x1;
	[dreg:$0x2] =	wrdreg s3  }
0xa9: {  	[dreg:$0x3] =	wrdreg s5  }
0xaa: {  	[dreg:$0x4] =	wrdreg $0xC0  }
0xab: {  	_ =	task [dreg:s7], $0x5FFFF  }
0xac: {  	[dreg:$0x1] =	wrdreg $0xFFFFFFFF  }
0xad: {  	[dreg:$0x0] =	wrdreg $0x60  }
0xae: {  	[dreg:$0x2] =	wrdreg s2  }
0xaf: {  	[dreg:$0x3] =	wrdreg s24  }
0xb0: {  	[dreg:$0x4] =	wrdreg $0x0  }
0xb1: {  	[dreg:$0x5] =	wrdreg $0x9  }
0xb2: {  	_ =	task.clear_ibuf [dreg:s7], $0x6FFFF;
	_ =	strace $0x90000046  }
0xb3: {  	s29 =	simm.s32 $0x9;
	_ =	strace $0x80000048  }
0xb4: {  	_ =	swait.ge [sflag:s29], $0x1  }
0xb5: {  	[sflag:s29] =	ssyncadd.s32 $0xFFFFFFFF  }
0xb6: {  	_ =	strace $0x90000048  }
0xb7: {  	_ =	sfence  }
0xb8: {  	s30 =	sld [smem:$0x0];
	_ =	sdelay $0x2  }
0xb9: {  	s31 =	sshll.u32 s1, $0xD;
	s1 =	sshrl.u32 s1, $0x2  }
0xba: {  	s3 =	sand.u32 $0x4000, s31;
	s1 =	sadd.s32 s1, s30  }
0xbb: {  	s0 =	sor.u32 s3, s0;
	s1 =	sshll.u32 s1, $0x11  }
0xbc: {  	s0 =	sor.u32 s1, s0  }
0xbd: {  	s0 =	sadd.s32 $0x8F2B, s0  }
0xbe: {  	[sflag:s0] =	ssyncadd.remote.s32 $0x1  }
0xbf: {  	_ =	sfence.sel $0xFFFF  }
0xc0: {  	[dreg:$0x0] =	wrdreg $0xFFFFFFFF;
	(pc) =	sbr.abs _section_cstart, $3  }
0xc1: {  	[dreg:$0x1] =	wrdreg $0xFFFFFFFF  }
0xc2: {  	_ =	task.clear_ibuf [dreg:s7], $0x2FFFF;
	_ =	strace $0x9FFFFFFF  }
0xc3: {  	(tm) =	ssettm $0x7FFFFFFF  }
tec
execute0_lowered:
.L_overlay_start_1:
0x0: {  	(tag) =	ssettag $0x1  }
0x1: {  	s5 =	rddreg [dreg:$0x0]  }
0x2: {  	s6 =	rddreg [dreg:$0x1]  }
0x3: {  	s1 =	rddreg [dreg:$0x2]  }
0x4: {  	s0 =	rddreg [dreg:$0x3];
	s2 =	simm.s32 $0x0  }
0x5: {  	s3 =	srdreg.scid;
	s11 =	simm.s32 $0x2600;
	s12 =	simm.s32 $0x5280  }
0x6: {  	s15 =	simm.s32 $0x0;
	[smem:$0x7FF] =	sst s2;
	s4 =	sand.u32 $0x1, s3  }
0x7: {  	s3 =	stileid.u32;
	_ =	strace $0x80000047;
	s7 =	ssub.s32 $0x2, s4  }
0x8: {  	s9 =	smul.u32 $0x280, s3;
	s10 =	sshll.u32 s4, $0x4;
	p0 =	seq.s32 s4, $0x1  }
0x9: {  	s13 =	sshll.u32 s3, $0x6;
	s8 =	sshrl.u32 s7, $0x1;
	s10 =	sor.u32 s3, s10  }
0xa: {  	s11 =	simm.s32 @!p0 $0x2000;
	s13 =	sor.u32 $0x1C01, s13;
	s7 =	ssub.s32 s7, s8  }
0xb: {  	s30 =	smul.u32 $0xA00, s10;
	s4 =	sadd.s32 s9, s1;
	s9 =	sshrl.u32 s9, $0x3  }
0xc: {  	s31 =	sadd.s32 s11, s6;
	s8 =	simm.s32 $0x5300;
	s10 =	simm.s32 $0x280  }
0xd: {  	s11 =	simm.s32 $0x40;
	s6 =	smax.u32 s7, $0x1;
	s7 =	sadd.s32 s31, s9  }
0xe: {  	v0 =	vimm.f32 $0.0e+00;
	v1 =	vimm.f32 $1.000000000e+00;
	s9 =	simm.s32 $0x1;
	s14 =	sshrl.u32 s4, $0x3;
	s5 =	sadd.s32 s5, s30  }
.LBB2_1:
0xf: {  	[tilespmem:$0x5300] =	vst v0  }
0x10: {  	[tilespmem:$0x5310] =	vst v0  }
0x11: {  	[tilespmem:$0x5320] =	vst v0  }
0x12: {  	[tilespmem:$0x5330] =	vst v0  }
0x13: {  	[tilespmem:$0x5340] =	vst v0  }
0x14: {  	[tilespmem:$0x5350] =	vst v0  }
0x15: {  	[tilespmem:$0x5360] =	vst v0  }
0x16: {  	[tilespmem:$0x5370] =	vst v0  }
0x17: {  	[tilespmem:$0x5380] =	vst v0  }
0x18: {  	[tilespmem:$0x5390] =	vst v0  }
0x19: {  	[tilespmem:$0x53A0] =	vst v0  }
0x1a: {  	[tilespmem:$0x53B0] =	vst v0  }
0x1b: {  	[tilespmem:$0x53C0] =	vst v0  }
0x1c: {  	[tilespmem:$0x53D0] =	vst v0  }
0x1d: {  	[tilespmem:$0x53E0] =	vst v0  }
0x1e: {  	[tilespmem:$0x53F0] =	vst v0  }
0x1f: {  	[tilespmem:$0x5400] =	vst v0  }
0x20: {  	[tilespmem:$0x5410] =	vst v0  }
0x21: {  	[tilespmem:$0x5420] =	vst v0  }
0x22: {  	[tilespmem:$0x5430] =	vst v0  }
0x23: {  	[tilespmem:$0x5440] =	vst v0  }
0x24: {  	[tilespmem:$0x5450] =	vst v0  }
0x25: {  	[tilespmem:$0x5460] =	vst v0  }
0x26: {  	[tilespmem:$0x5470] =	vst v0  }
0x27: {  	[tilespmem:$0x5480] =	vst v0  }
0x28: {  	[tilespmem:$0x5490] =	vst v0  }
0x29: {  	[tilespmem:$0x54A0] =	vst v0  }
0x2a: {  	[tilespmem:$0x54B0] =	vst v0  }
0x2b: {  	[tilespmem:$0x54C0] =	vst v0  }
0x2c: {  	[tilespmem:$0x54D0] =	vst v0  }
0x2d: {  	[tilespmem:$0x54E0] =	vst v0  }
0x2e: {  	[tilespmem:$0x54F0] =	vst v0  }
0x2f: {  	[tilespmem:$0x5500] =	vst v0  }
0x30: {  	[tilespmem:$0x5510] =	vst v0  }
0x31: {  	[tilespmem:$0x5520] =	vst v0  }
0x32: {  	[tilespmem:$0x5530] =	vst v0  }
0x33: {  	[tilespmem:$0x5540] =	vst v0  }
0x34: {  	[tilespmem:$0x5550] =	vst v0  }
0x35: {  	[tilespmem:$0x5560] =	vst v0  }
0x36: {  	[tilespmem:$0x5570] =	vst v0  }
0x37: {  	[tilespmem:$0x5280] =	vst v1  }
0x38: {  	[tilespmem:$0x5290] =	vst v1  }
0x39: {  	[tilespmem:$0x52A0] =	vst v1  }
0x3a: {  	[tilespmem:$0x52B0] =	vst v1  }
0x3b: {  	[spmem:s4] =	stream.linear.scatter [tilespmem:s8], [sflag:$0x1], $0x280, $0x38;
	[tilespmem:$0x5580] =	vst v63  }
0x3c: {  	_ =	swait.ge [sflag:s9], $0x280  }
0x3d: {  	[sflag:s9] =	ssyncset.done $0x0  }
0x3e: {  	[sflag:s9] =	ssyncadd.s32 $0xFFFFFD80  }
0x3f: {  	[tilespmem:s10], [sflag:$0x1] =	stream.linear.gather [hbm4b:s5+s2], $0x4F80, $0x38;
	[tilespmem:$0x5580] =	vst v63  }
0x40: {  	_ =	swait.ge [sflag:s9], $0x4F80  }
0x41: {  	[sflag:s9] =	ssyncset.done $0x0  }
0x42: {  	[sflag:s9] =	ssyncadd.s32 $0xFFFFB080  }
0x43: {  	s16 =	simm.s32 $0x280;
	[bflag:$0x0] =	sbarrier.arrive $0xFFFF  }
0x44: {  	[spmem:s1] =	stream.indirect.scatter.add.f32 [tilespmem:s12], [sflag:$0x1], $0x1, s16, s11, $0xb8;
	[tilespmem:$0x5580] =	vst v63  }
0x45: {  	s16 =	simm.s32 $0x200;
	_ =	swait.ge [sflag:s9], $0x40  }
.LBB2_2:
0x46: {  	s17 =	sshra.s32 s16, $0x2;
	[sflag:s9] =	ssyncset.done $0x0;
	p0 =	sne.s32 s16, $0x13C00  }
.Ltmp0:
0x47: {  	s17 =	sadd.s32 $0x280, s17;
	[sflag:s9] =	ssyncadd.s32 $0xFFFFFFC0;
	(pc) =	sbr.rel @p0 .LBB2_2-.Ltmp0, $3  }
0x48: {  	[spmem:s1] =	stream.indirect.scatter.add.f32 [tilespmem:s12], [sflag:$0x1], $0x1, s17, s11, $0xb8;
	[tilespmem:$0x5580] =	vst v63  }
0x49: {  	s16 =	sadd.s32 $0x200, s16;
	_ =	sdelay $0x1  }
0x4a: {  	_ =	swait.ge [sflag:s9], $0x40  }
0x4b: {  	[sflag:s9] =	ssyncset.done $0x0;
	s15 =	sadd.s32 $0x1, s15  }
0x4c: {  	[sflag:s9] =	ssyncadd.s32 $0xFFFFFFC0;
	p0 =	sne.s32 s15, s6  }
.Ltmp1:
0x4d: {  	[bflag:$0x0] =	sbarrier.arrive $0xFFFF;
	(pc) =	sbr.rel @p0 .LBB2_1-.Ltmp1, $4  }
0x4e: {  	[hbm:s7], [sflag:s13] =	dma.local [spmem:s14], $0x50  }
0x4f: {  	_ =	swait.ge [sflag:s9], $0x50  }
0x50: {  	[sflag:s9] =	ssyncset.done $0x0  }
0x51: {  	[sflag:s9] =	ssyncadd.s32 $0xFFFFFFB0  }
0x52: {  	_ =	sfence.sel $0x180000  }
0x53: {  	[bflag:$0x0] =	sbarrier.arrive $0xFFFF  }
0x54: {  	p0 =	sne.s32 s3, $0x0;
	_ =	strace $0x90000047  }
0x55: {  	s0 =	sadd.s32 @!p0 $0x100000, s0;
	[bflag:$0x2] =	sbarrier.arrive $0xFFFF  }
0x56: {  	[sflag:s0] =	ssyncadd.tile.s32 @!p0 $0x1;
	_ =	shalt  }
.Lfunc_end2:
_tile_overlayer_lowered:
.L_overlay_start_2:
0x57: {  	(tag) =	ssettag $0x2  }
0x58: {  	s0 =	rddreg [dreg:$0x0];
	s2 =	stileid.u32  }
0x59: {  	s1 =	rddreg [dreg:$0x1];
	p0 =	sne.s32 s2, $0x0  }
0x5a: {  	s3 =	rddreg [dreg:$0x2];
	[bflag:$0x3] =	sbarrier.arrive $0xFFFF;
	s2 =	simm.s32 @!p0 $0x1C01  }
0x5b: {  	[timem:s3], [sflag:s2] =	dma.local @!p0 [hbm:s0], s1  }
0x5c: {  	s0 =	simm.s32 @!p0 $0x1  }
0x5d: {  	_ =	swait.ge @!p0 [sflag:s0], s1  }
0x5e: {  	s1 =	ssub.s32 @!p0 $0x0, s1;
	[sflag:s0] =	ssyncset.done @!p0 $0x0  }
0x5f: {  	[sflag:s0] =	ssyncadd.s32 @!p0 s1  }
0x60: {  	[bflag:$0x3] =	sbarrier.arrive $0xFFFF  }
0x61: {  	_ =	shalt  }

</sc_bundles>
